<compile_context>
chip_gen: v7x
topology: tpu7x:2x2x1
jax: 0.10.2.dev20260603
libtpu: 0.0.44.dev20260713+nightly
codegen_flags: <defaults>
</compile_context>

<pallas_src>
import functools
import math

import jax
import jax.numpy as jnp
from jax import lax
from jax.experimental import pallas as pl
from jax.experimental.pallas import tpu as pltpu
from jax.experimental.pallas import tpu_sc as plsc

D_MODEL = 64
SCALE = math.sqrt(D_MODEL)
NUM_CORES = 2
NUM_SUBCORES = 16
NUM_WORKERS = NUM_CORES * NUM_SUBCORES
CHUNK = 640
LANES = 16


@functools.lru_cache(maxsize=None)
def _make_emb_kernel(B: int, V: int):
    assert B % (NUM_WORKERS * CHUNK) == 0
    b_per_w = B // NUM_WORKERS
    n_chunks = b_per_w // CHUNK
    assert n_chunks % 2 == 0
    mesh = plsc.VectorSubcoreMesh(
        core_axis_name="c",
        subcore_axis_name="s",
        num_cores=NUM_CORES,
        num_subcores=NUM_SUBCORES,
    )

    @functools.partial(
        pl.kernel,
        out_type=jax.ShapeDtypeStruct((B, D_MODEL), jnp.float32),
        mesh=mesh,
        scratch_types=[
            pltpu.VMEM((CHUNK,), jnp.int32),
            pltpu.VMEM((CHUNK,), jnp.int32),
            pltpu.VMEM((CHUNK, D_MODEL), jnp.float32),
            pltpu.VMEM((CHUNK, D_MODEL), jnp.float32),
            pltpu.SemaphoreType.DMA,
            pltpu.SemaphoreType.DMA,
            pltpu.SemaphoreType.DMA,
            pltpu.SemaphoreType.DMA,
        ],
        compiler_params=pltpu.CompilerParams(use_tc_tiling_on_sc=False),
    )
    def emb(x_hbm, table_hbm, out_hbm, i0, i1, r0, r1,
            gsem0, gsem1, osem0, osem1):
        wid = lax.axis_index("s") * NUM_CORES + lax.axis_index("c")
        base = wid * b_per_w
        ibufs, rbufs = (i0, i1), (r0, r1)
        gsems, osems = (gsem0, gsem1), (osem0, osem1)

        def scopy(k, b):
            return pltpu.make_async_copy(
                rbufs[b], out_hbm.at[pl.ds(base + k * CHUNK, CHUNK)],
                osems[b])

        def chunk_work(k, b):
            off = base + k * CHUNK
            pltpu.sync_copy(x_hbm.at[pl.ds(off, CHUNK)], ibufs[b])
            pltpu.async_copy(table_hbm.at[ibufs[b]], rbufs[b],
                             gsems[b]).wait()

            def row_body(r, c):
                for j in range(D_MODEL // LANES):
                    sl = pl.ds(j * LANES, LANES)
                    rbufs[b][r, sl] = rbufs[b][r, sl] * SCALE
                return c

            lax.fori_loop(0, CHUNK, row_body, 0, unroll=4)
            scopy(k, b).start()

        def pair_body(h, carry):
            for b in range(2):
                k = 2 * h + b

                @pl.when(k >= 2)
                def _():
                    scopy(k - 2, b).wait()

                chunk_work(k, b)
            return carry

        lax.fori_loop(0, n_chunks // 2, pair_body, 0)
        for b in range(2):
            scopy(n_chunks - 2 + b, b).wait()

    return emb


def kernel(x, table):
    B = x.size
    xf = x.reshape(B).astype(jnp.int32)
    out = _make_emb_kernel(B, table.shape[0])(xf, table)
    return out.reshape(*x.shape, D_MODEL)

# --- scband reference (transcript-rebuilt; emitter-appended) ---
"""Pipeline reference for scband-word-embedding-20495583936726 (READ-ONLY COPY).

The authoritative reference and input builder live on the scoring server;
editing this copy changes nothing except your own understanding.
"""

import math
import jax, jax.numpy as jnp
import numpy as np

D_MODEL = 64
VOCAB_SIZE = 1000000

def setup_inputs(seed: int = 0) -> dict:
    key = jax.random.key(seed)
    k1, k2 = jax.random.split(key)
    x = jax.random.randint(k1, (4096, 200), 0, VOCAB_SIZE, dtype=jnp.int64 if jax.config.jax_enable_x64 else jnp.int32)
    table = jax.random.normal(k2, (VOCAB_SIZE, D_MODEL), dtype=jnp.float32)
    return {"x": x, "table": table}

def reference(x, table):
    # out = embedding(x) * sqrt(d_model)
    out = jnp.take(table, x, axis=0) * math.sqrt(D_MODEL)
    return out

if __name__ == "__main__":
    import jax
    _d = setup_inputs()
    print(jax.jit(kernel)(*tuple(_d.values())))

</pallas_src>

<mosaic_0001>
#map = affine_map<(d0, d1) -> (0)>
#map1 = affine_map<(d0, d1) -> (0, 0)>
module attributes {stable_mosaic.version = 14 : i64} {
  func.func @emb(%arg0: i32, %arg1: i32, %arg2: memref<819200xi32, #tpu.memory_space<hbm>>, %arg3: memref<1000000x64xf32, #tpu.memory_space<hbm>>, %arg4: memref<819200x64xf32, #tpu.memory_space<hbm>>, %arg5: memref<640xi32, #tpu.memory_space<vmem>>, %arg6: memref<640xi32, #tpu.memory_space<vmem>>, %arg7: memref<640x64xf32, #tpu.memory_space<vmem>>, %arg8: memref<640x64xf32, #tpu.memory_space<vmem>>, %arg9: memref<!tpu.dma_semaphore, #tpu.memory_space<semaphore_mem>>, %arg10: memref<!tpu.dma_semaphore, #tpu.memory_space<semaphore_mem>>, %arg11: memref<!tpu.dma_semaphore, #tpu.memory_space<semaphore_mem>>, %arg12: memref<!tpu.dma_semaphore, #tpu.memory_space<semaphore_mem>>) attributes {dimension_semantics = [#tpu.dimension_semantics<core_parallel>, #tpu.dimension_semantics<subcore_parallel>], iteration_bounds = array<i64: 2, 16>, scalar_prefetch = 0 : i64, scratch_operands = 8 : i64, tpu.core_type = #tpu.core_type<sc_vector_subcore>, window_params = [{transform_indices = #map}, {transform_indices = #map1}, {transform_indices = #map1}]} {
    %mul3A = arith.constant 2 : i32
    %mul3A_0 = arith.muli %arg1, %mul3A : i32
    %add3A = arith.addi %mul3A_0, %arg0 : i32
    %mul3A_1 = arith.constant 25600 : i32
    %mul3A_2 = arith.muli %add3A, %mul3A_1 : i32
    %scan3A = arith.constant 0 : i32
    %scan3A_3 = arith.constant 0 : i32
    %scan3A_4 = arith.constant 20 : i32
    %scan3A_5 = arith.addi %scan3A_3, %scan3A_4 : i32
    %scan3A_6 = arith.constant 1 : i32
    scf.for %scan3A_19 = %scan3A_3 to %scan3A_5 step %scan3A_6  : i32 {
      %mul3A_20 = arith.constant 2 : i32
      %mul3A_21 = arith.muli %mul3A_20, %scan3A_19 : i32
      %add3A_22 = arith.constant 0 : i32
      %add3A_23 = arith.addi %mul3A_21, %add3A_22 : i32
      %ge3A = arith.constant 2 : i32
      %ge3A_24 = arith.cmpi sge, %add3A_23, %ge3A : i32
      %convert_element_type3A = arith.extui %ge3A_24 : i1 to i32
      %cond3A = arith.constant 0 : i32
      %cond3A_25 = arith.cmpi ne, %convert_element_type3A, %cond3A : i32
      scf.if %cond3A_25 {
        %sub3A = arith.constant 2 : i32
        %sub3A_78 = arith.subi %add3A_23, %sub3A : i32
        %mul3A_79 = arith.constant 640 : i32
        %mul3A_80 = arith.muli %sub3A_78, %mul3A_79 : i32
        %add3A_81 = arith.addi %mul3A_2, %mul3A_80 : i32
        %dma_wait3A_82 = arith.constant 0 : i32
        %dma_wait3A_83 = tpu.memref_slice %arg4[%add3A_81, %dma_wait3A_82] : memref<819200x64xf32, #tpu.memory_space<hbm>> -> memref<640x64xf32, #tpu.memory_space<hbm>>
        %dma_wait3A_84 = arith.constant 0 : i32
        %dma_wait3A_85 = tpu.memref_slice %arg4[%add3A_81, %dma_wait3A_84] : memref<819200x64xf32, #tpu.memory_space<hbm>> -> memref<640x64xf32, #tpu.memory_space<hbm>>
        tpu.wait_dma2 semaphore(%arg11 : memref<!tpu.dma_semaphore, #tpu.memory_space<semaphore_mem>>) src(%arg7 : memref<640x64xf32, #tpu.memory_space<vmem>>) dst(%dma_wait3A_85 : memref<640x64xf32, #tpu.memory_space<hbm>>)
      } else {
      }
      %mul3A_26 = arith.constant 640 : i32
      %mul3A_27 = arith.muli %add3A_23, %mul3A_26 : i32
      %add3A_28 = arith.addi %mul3A_2, %mul3A_27 : i32
      "tpu.region"() ({
        %run_scoped3A = tpu.sem_alloc : memref<!tpu.dma_semaphore, #tpu.memory_space<semaphore_mem>>
        %dma_start3A_78 = tpu.memref_slice %arg2[%add3A_28] : memref<819200xi32, #tpu.memory_space<hbm>> -> memref<640xi32, #tpu.memory_space<hbm>>
        %dma_start3A_79 = tpu.memref_slice %arg2[%add3A_28] : memref<819200xi32, #tpu.memory_space<hbm>> -> memref<640xi32, #tpu.memory_space<hbm>>
        tpu.enqueue_dma source(%dma_start3A_79 : memref<640xi32, #tpu.memory_space<hbm>>) target(%arg5 : memref<640xi32, #tpu.memory_space<vmem>>) target_semaphore(%run_scoped3A : memref<!tpu.dma_semaphore, #tpu.memory_space<semaphore_mem>>)
        %dma_wait3A_80 = tpu.memref_slice %arg2[%add3A_28] : memref<819200xi32, #tpu.memory_space<hbm>> -> memref<640xi32, #tpu.memory_space<hbm>>
        %dma_wait3A_81 = tpu.memref_slice %arg2[%add3A_28] : memref<819200xi32, #tpu.memory_space<hbm>> -> memref<640xi32, #tpu.memory_space<hbm>>
        tpu.wait_dma2 semaphore(%run_scoped3A : memref<!tpu.dma_semaphore, #tpu.memory_space<semaphore_mem>>) src(%dma_wait3A_81 : memref<640xi32, #tpu.memory_space<hbm>>) dst(%arg5 : memref<640xi32, #tpu.memory_space<vmem>>)
        tpu.yield
      }) : () -> ()
      %dma_start3A = arith.constant 0 : i32
      %dma_start3A_29 = arith.constant 0 : i32
      %dma_start3A_30 = tpu.memref_slice %arg3[%dma_start3A, %dma_start3A_29] : memref<1000000x64xf32, #tpu.memory_space<hbm>> -> memref<1000000x64xf32, #tpu.memory_space<hbm>>
      tpu.enqueue_indirect_dma source(%dma_start3A_30 : memref<1000000x64xf32, #tpu.memory_space<hbm>>) target(%arg7 : memref<640x64xf32, #tpu.memory_space<vmem>>) offsets(%arg5 : memref<640xi32, #tpu.memory_space<vmem>>) semaphore(%arg9 : memref<!tpu.dma_semaphore, #tpu.memory_space<semaphore_mem>>)
      %dma_wait3A_31 = arith.constant 0 : i32
      %dma_wait3A_32 = arith.constant 0 : i32
      %dma_wait3A_33 = tpu.memref_slice %arg3[%dma_wait3A_31, %dma_wait3A_32] : memref<1000000x64xf32, #tpu.memory_space<hbm>> -> memref<1000000x64xf32, #tpu.memory_space<hbm>>
      tpu.wait_indirect_dma semaphore(%arg9 : memref<!tpu.dma_semaphore, #tpu.memory_space<semaphore_mem>>) src(%dma_wait3A_33 : memref<1000000x64xf32, #tpu.memory_space<hbm>>) dst(%arg7 : memref<640x64xf32, #tpu.memory_space<vmem>>)
      %scan3A_34 = arith.constant 0 : i32
      %scan3A_35 = arith.constant 0 : i32
      %scan3A_36 = arith.constant 640 : i32
      %scan3A_37 = arith.addi %scan3A_35, %scan3A_36 : i32
      %scan3A_38 = arith.constant 4 : i32
      scf.for %scan3A_78 = %scan3A_35 to %scan3A_37 step %scan3A_38  : i32 {
        %get3A = arith.index_cast %scan3A_78 : i32 to index
        %get3A_79 = arith.constant 0 : index
        %get3A_80 = tpu.vector_load %arg7[%get3A, %get3A_79] {strides = array<i32>} : memref<640x64xf32, #tpu.memory_space<vmem>>, vector<1x16xf32>,
        %get3A_81 = vector.shape_cast %get3A_80 : vector<1x16xf32> to vector<16xf32>
        %mul3A_82 = arith.constant 8.000000e+00 : f32
        %mul3A_83 = vector.broadcast %mul3A_82 : f32 to vector<16xf32>
        %mul3A_84 = arith.mulf %get3A_81, %mul3A_83 : vector<16xf32>
        %swap3A = arith.index_cast %scan3A_78 : i32 to index
        %swap3A_85 = arith.constant 0 : index
        %swap3A_86 = tpu.vector_load %arg7[%swap3A, %swap3A_85] {strides = array<i32>} : memref<640x64xf32, #tpu.memory_space<vmem>>, vector<1x16xf32>,
        %swap3A_87 = vector.shape_cast %swap3A_86 : vector<1x16xf32> to vector<16xf32>
        %swap3A_88 = vector.shape_cast %mul3A_84 : vector<16xf32> to vector<1x16xf32>
        tpu.vector_store %arg7[%swap3A, %swap3A_85], %swap3A_88 {strides = array<i32>} : memref<640x64xf32, #tpu.memory_space<vmem>>, vector<1x16xf32>,
        %get3A_89 = arith.index_cast %scan3A_78 : i32 to index
        %get3A_90 = arith.constant 16 : index
        %get3A_91 = tpu.vector_load %arg7[%get3A_89, %get3A_90] {strides = array<i32>} : memref<640x64xf32, #tpu.memory_space<vmem>>, vector<1x16xf32>,
        %get3A_92 = vector.shape_cast %get3A_91 : vector<1x16xf32> to vector<16xf32>
        %mul3A_93 = arith.constant 8.000000e+00 : f32
        %mul3A_94 = vector.broadcast %mul3A_93 : f32 to vector<16xf32>
        %mul3A_95 = arith.mulf %get3A_92, %mul3A_94 : vector<16xf32>
        %swap3A_96 = arith.index_cast %scan3A_78 : i32 to index
        %swap3A_97 = arith.constant 16 : index
        %swap3A_98 = tpu.vector_load %arg7[%swap3A_96, %swap3A_97] {strides = array<i32>} : memref<640x64xf32, #tpu.memory_space<vmem>>, vector<1x16xf32>,
        %swap3A_99 = vector.shape_cast %swap3A_98 : vector<1x16xf32> to vector<16xf32>
        %swap3A_100 = vector.shape_cast %mul3A_95 : vector<16xf32> to vector<1x16xf32>
        tpu.vector_store %arg7[%swap3A_96, %swap3A_97], %swap3A_100 {strides = array<i32>} : memref<640x64xf32, #tpu.memory_space<vmem>>, vector<1x16xf32>,
        %get3A_101 = arith.index_cast %scan3A_78 : i32 to index
        %get3A_102 = arith.constant 32 : index
        %get3A_103 = tpu.vector_load %arg7[%get3A_101, %get3A_102] {strides = array<i32>} : memref<640x64xf32, #tpu.memory_space<vmem>>, vector<1x16xf32>,
        %get3A_104 = vector.shape_cast %get3A_103 : vector<1x16xf32> to vector<16xf32>
        %mul3A_105 = arith.constant 8.000000e+00 : f32
        %mul3A_106 = vector.broadcast %mul3A_105 : f32 to vector<16xf32>
        %mul3A_107 = arith.mulf %get3A_104, %mul3A_106 : vector<16xf32>
        %swap3A_108 = arith.index_cast %scan3A_78 : i32 to index
        %swap3A_109 = arith.constant 32 : index
        %swap3A_110 = tpu.vector_load %arg7[%swap3A_108, %swap3A_109] {strides = array<i32>} : memref<640x64xf32, #tpu.memory_space<vmem>>, vector<1x16xf32>,
        %swap3A_111 = vector.shape_cast %swap3A_110 : vector<1x16xf32> to vector<16xf32>
        %swap3A_112 = vector.shape_cast %mul3A_107 : vector<16xf32> to vector<1x16xf32>
        tpu.vector_store %arg7[%swap3A_108, %swap3A_109], %swap3A_112 {strides = array<i32>} : memref<640x64xf32, #tpu.memory_space<vmem>>, vector<1x16xf32>,
        %get3A_113 = arith.index_cast %scan3A_78 : i32 to index
        %get3A_114 = arith.constant 48 : index
        %get3A_115 = tpu.vector_load %arg7[%get3A_113, %get3A_114] {strides = array<i32>} : memref<640x64xf32, #tpu.memory_space<vmem>>, vector<1x16xf32>,
        %get3A_116 = vector.shape_cast %get3A_115 : vector<1x16xf32> to vector<16xf32>
        %mul3A_117 = arith.constant 8.000000e+00 : f32
        %mul3A_118 = vector.broadcast %mul3A_117 : f32 to vector<16xf32>
        %mul3A_119 = arith.mulf %get3A_116, %mul3A_118 : vector<16xf32>
        %swap3A_120 = arith.index_cast %scan3A_78 : i32 to index
        %swap3A_121 = arith.constant 48 : index
        %swap3A_122 = tpu.vector_load %arg7[%swap3A_120, %swap3A_121] {strides = array<i32>} : memref<640x64xf32, #tpu.memory_space<vmem>>, vector<1x16xf32>,
        %swap3A_123 = vector.shape_cast %swap3A_122 : vector<1x16xf32> to vector<16xf32>
        %swap3A_124 = vector.shape_cast %mul3A_119 : vector<16xf32> to vector<1x16xf32>
        tpu.vector_store %arg7[%swap3A_120, %swap3A_121], %swap3A_124 {strides = array<i32>} : memref<640x64xf32, #tpu.memory_space<vmem>>, vector<1x16xf32>,
        %scan3A_125 = arith.constant 1 : i32
        %scan3A_126 = arith.addi %scan3A_78, %scan3A_125 : i32
        %get3A_127 = arith.index_cast %scan3A_126 : i32 to index
        %get3A_128 = arith.constant 0 : index
        %get3A_129 = tpu.vector_load %arg7[%get3A_127, %get3A_128] {strides = array<i32>} : memref<640x64xf32, #tpu.memory_space<vmem>>, vector<1x16xf32>,
        %get3A_130 = vector.shape_cast %get3A_129 : vector<1x16xf32> to vector<16xf32>
        %mul3A_131 = arith.constant 8.000000e+00 : f32
        %mul3A_132 = vector.broadcast %mul3A_131 : f32 to vector<16xf32>
        %mul3A_133 = arith.mulf %get3A_130, %mul3A_132 : vector<16xf32>
        %swap3A_134 = arith.index_cast %scan3A_126 : i32 to index
        %swap3A_135 = arith.constant 0 : index
        %swap3A_136 = tpu.vector_load %arg7[%swap3A_134, %swap3A_135] {strides = array<i32>} : memref<640x64xf32, #tpu.memory_space<vmem>>, vector<1x16xf32>,
        %swap3A_137 = vector.shape_cast %swap3A_136 : vector<1x16xf32> to vector<16xf32>
        %swap3A_138 = vector.shape_cast %mul3A_133 : vector<16xf32> to vector<1x16xf32>
        tpu.vector_store %arg7[%swap3A_134, %swap3A_135], %swap3A_138 {strides = array<i32>} : memref<640x64xf32, #tpu.memory_space<vmem>>, vector<1x16xf32>,
        %get3A_139 = arith.index_cast %scan3A_126 : i32 to index
        %get3A_140 = arith.constant 16 : index
        %get3A_141 = tpu.vector_load %arg7[%get3A_139, %get3A_140] {strides = array<i32>} : memref<640x64xf32, #tpu.memory_space<vmem>>, vector<1x16xf32>,
        %get3A_142 = vector.shape_cast %get3A_141 : vector<1x16xf32> to vector<16xf32>
        %mul3A_143 = arith.constant 8.000000e+00 : f32
        %mul3A_144 = vector.broadcast %mul3A_143 : f32 to vector<16xf32>
        %mul3A_145 = arith.mulf %get3A_142, %mul3A_144 : vector<16xf32>
        %swap3A_146 = arith.index_cast %scan3A_126 : i32 to index
        %swap3A_147 = arith.constant 16 : index
        %swap3A_148 = tpu.vector_load %arg7[%swap3A_146, %swap3A_147] {strides = array<i32>} : memref<640x64xf32, #tpu.memory_space<vmem>>, vector<1x16xf32>,
        %swap3A_149 = vector.shape_cast %swap3A_148 : vector<1x16xf32> to vector<16xf32>
        %swap3A_150 = vector.shape_cast %mul3A_145 : vector<16xf32> to vector<1x16xf32>
        tpu.vector_store %arg7[%swap3A_146, %swap3A_147], %swap3A_150 {strides = array<i32>} : memref<640x64xf32, #tpu.memory_space<vmem>>, vector<1x16xf32>,
        %get3A_151 = arith.index_cast %scan3A_126 : i32 to index
        %get3A_152 = arith.constant 32 : index
        %get3A_153 = tpu.vector_load %arg7[%get3A_151, %get3A_152] {strides = array<i32>} : memref<640x64xf32, #tpu.memory_space<vmem>>, vector<1x16xf32>,
        %get3A_154 = vector.shape_cast %get3A_153 : vector<1x16xf32> to vector<16xf32>
        %mul3A_155 = arith.constant 8.000000e+00 : f32
        %mul3A_156 = vector.broadcast %mul3A_155 : f32 to vector<16xf32>
        %mul3A_157 = arith.mulf %get3A_154, %mul3A_156 : vector<16xf32>
        %swap3A_158 = arith.index_cast %scan3A_126 : i32 to index
        %swap3A_159 = arith.constant 32 : index
        %swap3A_160 = tpu.vector_load %arg7[%swap3A_158, %swap3A_159] {strides = array<i32>} : memref<640x64xf32, #tpu.memory_space<vmem>>, vector<1x16xf32>,
        %swap3A_161 = vector.shape_cast %swap3A_160 : vector<1x16xf32> to vector<16xf32>
        %swap3A_162 = vector.shape_cast %mul3A_157 : vector<16xf32> to vector<1x16xf32>
        tpu.vector_store %arg7[%swap3A_158, %swap3A_159], %swap3A_162 {strides = array<i32>} : memref<640x64xf32, #tpu.memory_space<vmem>>, vector<1x16xf32>,
        %get3A_163 = arith.index_cast %scan3A_126 : i32 to index
        %get3A_164 = arith.constant 48 : index
        %get3A_165 = tpu.vector_load %arg7[%get3A_163, %get3A_164] {strides = array<i32>} : memref<640x64xf32, #tpu.memory_space<vmem>>, vector<1x16xf32>,
        %get3A_166 = vector.shape_cast %get3A_165 : vector<1x16xf32> to vector<16xf32>
        %mul3A_167 = arith.constant 8.000000e+00 : f32
        %mul3A_168 = vector.broadcast %mul3A_167 : f32 to vector<16xf32>
        %mul3A_169 = arith.mulf %get3A_166, %mul3A_168 : vector<16xf32>
        %swap3A_170 = arith.index_cast %scan3A_126 : i32 to index
        %swap3A_171 = arith.constant 48 : index
        %swap3A_172 = tpu.vector_load %arg7[%swap3A_170, %swap3A_171] {strides = array<i32>} : memref<640x64xf32, #tpu.memory_space<vmem>>, vector<1x16xf32>,
        %swap3A_173 = vector.shape_cast %swap3A_172 : vector<1x16xf32> to vector<16xf32>
        %swap3A_174 = vector.shape_cast %mul3A_169 : vector<16xf32> to vector<1x16xf32>
        tpu.vector_store %arg7[%swap3A_170, %swap3A_171], %swap3A_174 {strides = array<i32>} : memref<640x64xf32, #tpu.memory_space<vmem>>, vector<1x16xf32>,
        %scan3A_175 = arith.constant 2 : i32
        %scan3A_176 = arith.addi %scan3A_78, %scan3A_175 : i32
        %get3A_177 = arith.index_cast %scan3A_176 : i32 to index
        %get3A_178 = arith.constant 0 : index
        %get3A_179 = tpu.vector_load %arg7[%get3A_177, %get3A_178] {strides = array<i32>} : memref<640x64xf32, #tpu.memory_space<vmem>>, vector<1x16xf32>,
        %get3A_180 = vector.shape_cast %get3A_179 : vector<1x16xf32> to vector<16xf32>
        %mul3A_181 = arith.constant 8.000000e+00 : f32
        %mul3A_182 = vector.broadcast %mul3A_181 : f32 to vector<16xf32>
        %mul3A_183 = arith.mulf %get3A_180, %mul3A_182 : vector<16xf32>
        %swap3A_184 = arith.index_cast %scan3A_176 : i32 to index
        %swap3A_185 = arith.constant 0 : index
        %swap3A_186 = tpu.vector_load %arg7[%swap3A_184, %swap3A_185] {strides = array<i32>} : memref<640x64xf32, #tpu.memory_space<vmem>>, vector<1x16xf32>,
        %swap3A_187 = vector.shape_cast %swap3A_186 : vector<1x16xf32> to vector<16xf32>
        %swap3A_188 = vector.shape_cast %mul3A_183 : vector<16xf32> to vector<1x16xf32>
        tpu.vector_store %arg7[%swap3A_184, %swap3A_185], %swap3A_188 {strides = array<i32>} : memref<640x64xf32, #tpu.memory_space<vmem>>, vector<1x16xf32>,
        %get3A_189 = arith.index_cast %scan3A_176 : i32 to index
        %get3A_190 = arith.constant 16 : index
        %get3A_191 = tpu.vector_load %arg7[%get3A_189, %get3A_190] {strides = array<i32>} : memref<640x64xf32, #tpu.memory_space<vmem>>, vector<1x16xf32>,
        %get3A_192 = vector.shape_cast %get3A_191 : vector<1x16xf32> to vector<16xf32>
        %mul3A_193 = arith.constant 8.000000e+00 : f32
        %mul3A_194 = vector.broadcast %mul3A_193 : f32 to vector<16xf32>
        %mul3A_195 = arith.mulf %get3A_192, %mul3A_194 : vector<16xf32>
        %swap3A_196 = arith.index_cast %scan3A_176 : i32 to index
        %swap3A_197 = arith.constant 16 : index
        %swap3A_198 = tpu.vector_load %arg7[%swap3A_196, %swap3A_197] {strides = array<i32>} : memref<640x64xf32, #tpu.memory_space<vmem>>, vector<1x16xf32>,
        %swap3A_199 = vector.shape_cast %swap3A_198 : vector<1x16xf32> to vector<16xf32>
        %swap3A_200 = vector.shape_cast %mul3A_195 : vector<16xf32> to vector<1x16xf32>
        tpu.vector_store %arg7[%swap3A_196, %swap3A_197], %swap3A_200 {strides = array<i32>} : memref<640x64xf32, #tpu.memory_space<vmem>>, vector<1x16xf32>,
        %get3A_201 = arith.index_cast %scan3A_176 : i32 to index
        %get3A_202 = arith.constant 32 : index
        %get3A_203 = tpu.vector_load %arg7[%get3A_201, %get3A_202] {strides = array<i32>} : memref<640x64xf32, #tpu.memory_space<vmem>>, vector<1x16xf32>,
        %get3A_204 = vector.shape_cast %get3A_203 : vector<1x16xf32> to vector<16xf32>
        %mul3A_205 = arith.constant 8.000000e+00 : f32
        %mul3A_206 = vector.broadcast %mul3A_205 : f32 to vector<16xf32>
        %mul3A_207 = arith.mulf %get3A_204, %mul3A_206 : vector<16xf32>
        %swap3A_208 = arith.index_cast %scan3A_176 : i32 to index
        %swap3A_209 = arith.constant 32 : index
        %swap3A_210 = tpu.vector_load %arg7[%swap3A_208, %swap3A_209] {strides = array<i32>} : memref<640x64xf32, #tpu.memory_space<vmem>>, vector<1x16xf32>,
        %swap3A_211 = vector.shape_cast %swap3A_210 : vector<1x16xf32> to vector<16xf32>
        %swap3A_212 = vector.shape_cast %mul3A_207 : vector<16xf32> to vector<1x16xf32>
        tpu.vector_store %arg7[%swap3A_208, %swap3A_209], %swap3A_212 {strides = array<i32>} : memref<640x64xf32, #tpu.memory_space<vmem>>, vector<1x16xf32>,
        %get3A_213 = arith.index_cast %scan3A_176 : i32 to index
        %get3A_214 = arith.constant 48 : index
        %get3A_215 = tpu.vector_load %arg7[%get3A_213, %get3A_214] {strides = array<i32>} : memref<640x64xf32, #tpu.memory_space<vmem>>, vector<1x16xf32>,
        %get3A_216 = vector.shape_cast %get3A_215 : vector<1x16xf32> to vector<16xf32>
        %mul3A_217 = arith.constant 8.000000e+00 : f32
        %mul3A_218 = vector.broadcast %mul3A_217 : f32 to vector<16xf32>
        %mul3A_219 = arith.mulf %get3A_216, %mul3A_218 : vector<16xf32>
        %swap3A_220 = arith.index_cast %scan3A_176 : i32 to index
        %swap3A_221 = arith.constant 48 : index
        %swap3A_222 = tpu.vector_load %arg7[%swap3A_220, %swap3A_221] {strides = array<i32>} : memref<640x64xf32, #tpu.memory_space<vmem>>, vector<1x16xf32>,
        %swap3A_223 = vector.shape_cast %swap3A_222 : vector<1x16xf32> to vector<16xf32>
        %swap3A_224 = vector.shape_cast %mul3A_219 : vector<16xf32> to vector<1x16xf32>
        tpu.vector_store %arg7[%swap3A_220, %swap3A_221], %swap3A_224 {strides = array<i32>} : memref<640x64xf32, #tpu.memory_space<vmem>>, vector<1x16xf32>,
        %scan3A_225 = arith.constant 3 : i32
        %scan3A_226 = arith.addi %scan3A_78, %scan3A_225 : i32
        %get3A_227 = arith.index_cast %scan3A_226 : i32 to index
        %get3A_228 = arith.constant 0 : index
        %get3A_229 = tpu.vector_load %arg7[%get3A_227, %get3A_228] {strides = array<i32>} : memref<640x64xf32, #tpu.memory_space<vmem>>, vector<1x16xf32>,
        %get3A_230 = vector.shape_cast %get3A_229 : vector<1x16xf32> to vector<16xf32>
        %mul3A_231 = arith.constant 8.000000e+00 : f32
        %mul3A_232 = vector.broadcast %mul3A_231 : f32 to vector<16xf32>
        %mul3A_233 = arith.mulf %get3A_230, %mul3A_232 : vector<16xf32>
        %swap3A_234 = arith.index_cast %scan3A_226 : i32 to index
        %swap3A_235 = arith.constant 0 : index
        %swap3A_236 = tpu.vector_load %arg7[%swap3A_234, %swap3A_235] {strides = array<i32>} : memref<640x64xf32, #tpu.memory_space<vmem>>, vector<1x16xf32>,
        %swap3A_237 = vector.shape_cast %swap3A_236 : vector<1x16xf32> to vector<16xf32>
        %swap3A_238 = vector.shape_cast %mul3A_233 : vector<16xf32> to vector<1x16xf32>
        tpu.vector_store %arg7[%swap3A_234, %swap3A_235], %swap3A_238 {strides = array<i32>} : memref<640x64xf32, #tpu.memory_space<vmem>>, vector<1x16xf32>,
        %get3A_239 = arith.index_cast %scan3A_226 : i32 to index
        %get3A_240 = arith.constant 16 : index
        %get3A_241 = tpu.vector_load %arg7[%get3A_239, %get3A_240] {strides = array<i32>} : memref<640x64xf32, #tpu.memory_space<vmem>>, vector<1x16xf32>,
        %get3A_242 = vector.shape_cast %get3A_241 : vector<1x16xf32> to vector<16xf32>
        %mul3A_243 = arith.constant 8.000000e+00 : f32
        %mul3A_244 = vector.broadcast %mul3A_243 : f32 to vector<16xf32>
        %mul3A_245 = arith.mulf %get3A_242, %mul3A_244 : vector<16xf32>
        %swap3A_246 = arith.index_cast %scan3A_226 : i32 to index
        %swap3A_247 = arith.constant 16 : index
        %swap3A_248 = tpu.vector_load %arg7[%swap3A_246, %swap3A_247] {strides = array<i32>} : memref<640x64xf32, #tpu.memory_space<vmem>>, vector<1x16xf32>,
        %swap3A_249 = vector.shape_cast %swap3A_248 : vector<1x16xf32> to vector<16xf32>
        %swap3A_250 = vector.shape_cast %mul3A_245 : vector<16xf32> to vector<1x16xf32>
        tpu.vector_store %arg7[%swap3A_246, %swap3A_247], %swap3A_250 {strides = array<i32>} : memref<640x64xf32, #tpu.memory_space<vmem>>, vector<1x16xf32>,
        %get3A_251 = arith.index_cast %scan3A_226 : i32 to index
        %get3A_252 = arith.constant 32 : index
        %get3A_253 = tpu.vector_load %arg7[%get3A_251, %get3A_252] {strides = array<i32>} : memref<640x64xf32, #tpu.memory_space<vmem>>, vector<1x16xf32>,
        %get3A_254 = vector.shape_cast %get3A_253 : vector<1x16xf32> to vector<16xf32>
        %mul3A_255 = arith.constant 8.000000e+00 : f32
        %mul3A_256 = vector.broadcast %mul3A_255 : f32 to vector<16xf32>
        %mul3A_257 = arith.mulf %get3A_254, %mul3A_256 : vector<16xf32>
        %swap3A_258 = arith.index_cast %scan3A_226 : i32 to index
        %swap3A_259 = arith.constant 32 : index
        %swap3A_260 = tpu.vector_load %arg7[%swap3A_258, %swap3A_259] {strides = array<i32>} : memref<640x64xf32, #tpu.memory_space<vmem>>, vector<1x16xf32>,
        %swap3A_261 = vector.shape_cast %swap3A_260 : vector<1x16xf32> to vector<16xf32>
        %swap3A_262 = vector.shape_cast %mul3A_257 : vector<16xf32> to vector<1x16xf32>
        tpu.vector_store %arg7[%swap3A_258, %swap3A_259], %swap3A_262 {strides = array<i32>} : memref<640x64xf32, #tpu.memory_space<vmem>>, vector<1x16xf32>,
        %get3A_263 = arith.index_cast %scan3A_226 : i32 to index
        %get3A_264 = arith.constant 48 : index
        %get3A_265 = tpu.vector_load %arg7[%get3A_263, %get3A_264] {strides = array<i32>} : memref<640x64xf32, #tpu.memory_space<vmem>>, vector<1x16xf32>,
        %get3A_266 = vector.shape_cast %get3A_265 : vector<1x16xf32> to vector<16xf32>
        %mul3A_267 = arith.constant 8.000000e+00 : f32
        %mul3A_268 = vector.broadcast %mul3A_267 : f32 to vector<16xf32>
        %mul3A_269 = arith.mulf %get3A_266, %mul3A_268 : vector<16xf32>
        %swap3A_270 = arith.index_cast %scan3A_226 : i32 to index
        %swap3A_271 = arith.constant 48 : index
        %swap3A_272 = tpu.vector_load %arg7[%swap3A_270, %swap3A_271] {strides = array<i32>} : memref<640x64xf32, #tpu.memory_space<vmem>>, vector<1x16xf32>,
        %swap3A_273 = vector.shape_cast %swap3A_272 : vector<1x16xf32> to vector<16xf32>
        %swap3A_274 = vector.shape_cast %mul3A_269 : vector<16xf32> to vector<1x16xf32>
        tpu.vector_store %arg7[%swap3A_270, %swap3A_271], %swap3A_274 {strides = array<i32>} : memref<640x64xf32, #tpu.memory_space<vmem>>, vector<1x16xf32>,
      }
      %scan3A_39 = arith.constant 640 : i32
      %mul3A_40 = arith.constant 640 : i32
      %mul3A_41 = arith.muli %add3A_23, %mul3A_40 : i32
      %add3A_42 = arith.addi %mul3A_2, %mul3A_41 : i32
      %dma_start3A_43 = arith.constant 0 : i32
      %dma_start3A_44 = tpu.memref_slice %arg4[%add3A_42, %dma_start3A_43] : memref<819200x64xf32, #tpu.memory_space<hbm>> -> memref<640x64xf32, #tpu.memory_space<hbm>>
      %dma_start3A_45 = arith.constant 0 : i32
      %dma_start3A_46 = tpu.memref_slice %arg4[%add3A_42, %dma_start3A_45] : memref<819200x64xf32, #tpu.memory_space<hbm>> -> memref<640x64xf32, #tpu.memory_space<hbm>>
      tpu.enqueue_dma source(%arg7 : memref<640x64xf32, #tpu.memory_space<vmem>>) target(%dma_start3A_46 : memref<640x64xf32, #tpu.memory_space<hbm>>) target_semaphore(%arg11 : memref<!tpu.dma_semaphore, #tpu.memory_space<semaphore_mem>>)
      %mul3A_47 = arith.constant 2 : i32
      %mul3A_48 = arith.muli %mul3A_47, %scan3A_19 : i32
      %add3A_49 = arith.constant 1 : i32
      %add3A_50 = arith.addi %mul3A_48, %add3A_49 : i32
      %ge3A_51 = arith.constant 2 : i32
      %ge3A_52 = arith.cmpi sge, %add3A_50, %ge3A_51 : i32
      %convert_element_type3A_53 = arith.extui %ge3A_52 : i1 to i32
      %cond3A_54 = arith.constant 0 : i32
      %cond3A_55 = arith.cmpi ne, %convert_element_type3A_53, %cond3A_54 : i32
      scf.if %cond3A_55 {
        %sub3A = arith.constant 2 : i32
        %sub3A_78 = arith.subi %add3A_50, %sub3A : i32
        %mul3A_79 = arith.constant 640 : i32
        %mul3A_80 = arith.muli %sub3A_78, %mul3A_79 : i32
        %add3A_81 = arith.addi %mul3A_2, %mul3A_80 : i32
        %dma_wait3A_82 = arith.constant 0 : i32
        %dma_wait3A_83 = tpu.memref_slice %arg4[%add3A_81, %dma_wait3A_82] : memref<819200x64xf32, #tpu.memory_space<hbm>> -> memref<640x64xf32, #tpu.memory_space<hbm>>
        %dma_wait3A_84 = arith.constant 0 : i32
        %dma_wait3A_85 = tpu.memref_slice %arg4[%add3A_81, %dma_wait3A_84] : memref<819200x64xf32, #tpu.memory_space<hbm>> -> memref<640x64xf32, #tpu.memory_space<hbm>>
        tpu.wait_dma2 semaphore(%arg12 : memref<!tpu.dma_semaphore, #tpu.memory_space<semaphore_mem>>) src(%arg8 : memref<640x64xf32, #tpu.memory_space<vmem>>) dst(%dma_wait3A_85 : memref<640x64xf32, #tpu.memory_space<hbm>>)
      } else {
      }
      %mul3A_56 = arith.constant 640 : i32
      %mul3A_57 = arith.muli %add3A_50, %mul3A_56 : i32
      %add3A_58 = arith.addi %mul3A_2, %mul3A_57 : i32
      "tpu.region"() ({
        %run_scoped3A = tpu.sem_alloc : memref<!tpu.dma_semaphore, #tpu.memory_space<semaphore_mem>>
        %dma_start3A_78 = tpu.memref_slice %arg2[%add3A_58] : memref<819200xi32, #tpu.memory_space<hbm>> -> memref<640xi32, #tpu.memory_space<hbm>>
        %dma_start3A_79 = tpu.memref_slice %arg2[%add3A_58] : memref<819200xi32, #tpu.memory_space<hbm>> -> memref<640xi32, #tpu.memory_space<hbm>>
        tpu.enqueue_dma source(%dma_start3A_79 : memref<640xi32, #tpu.memory_space<hbm>>) target(%arg6 : memref<640xi32, #tpu.memory_space<vmem>>) target_semaphore(%run_scoped3A : memref<!tpu.dma_semaphore, #tpu.memory_space<semaphore_mem>>)
        %dma_wait3A_80 = tpu.memref_slice %arg2[%add3A_58] : memref<819200xi32, #tpu.memory_space<hbm>> -> memref<640xi32, #tpu.memory_space<hbm>>
        %dma_wait3A_81 = tpu.memref_slice %arg2[%add3A_58] : memref<819200xi32, #tpu.memory_space<hbm>> -> memref<640xi32, #tpu.memory_space<hbm>>
        tpu.wait_dma2 semaphore(%run_scoped3A : memref<!tpu.dma_semaphore, #tpu.memory_space<semaphore_mem>>) src(%dma_wait3A_81 : memref<640xi32, #tpu.memory_space<hbm>>) dst(%arg6 : memref<640xi32, #tpu.memory_space<vmem>>)
        tpu.yield
      }) : () -> ()
      %dma_start3A_59 = arith.constant 0 : i32
      %dma_start3A_60 = arith.constant 0 : i32
      %dma_start3A_61 = tpu.memref_slice %arg3[%dma_start3A_59, %dma_start3A_60] : memref<1000000x64xf32, #tpu.memory_space<hbm>> -> memref<1000000x64xf32, #tpu.memory_space<hbm>>
      tpu.enqueue_indirect_dma source(%dma_start3A_61 : memref<1000000x64xf32, #tpu.memory_space<hbm>>) target(%arg8 : memref<640x64xf32, #tpu.memory_space<vmem>>) offsets(%arg6 : memref<640xi32, #tpu.memory_space<vmem>>) semaphore(%arg10 : memref<!tpu.dma_semaphore, #tpu.memory_space<semaphore_mem>>)
      %dma_wait3A_62 = arith.constant 0 : i32
      %dma_wait3A_63 = arith.constant 0 : i32
      %dma_wait3A_64 = tpu.memref_slice %arg3[%dma_wait3A_62, %dma_wait3A_63] : memref<1000000x64xf32, #tpu.memory_space<hbm>> -> memref<1000000x64xf32, #tpu.memory_space<hbm>>
      tpu.wait_indirect_dma semaphore(%arg10 : memref<!tpu.dma_semaphore, #tpu.memory_space<semaphore_mem>>) src(%dma_wait3A_64 : memref<1000000x64xf32, #tpu.memory_space<hbm>>) dst(%arg8 : memref<640x64xf32, #tpu.memory_space<vmem>>)
      %scan3A_65 = arith.constant 0 : i32
      %scan3A_66 = arith.constant 0 : i32
      %scan3A_67 = arith.constant 640 : i32
      %scan3A_68 = arith.addi %scan3A_66, %scan3A_67 : i32
      %scan3A_69 = arith.constant 4 : i32
      scf.for %scan3A_78 = %scan3A_66 to %scan3A_68 step %scan3A_69  : i32 {
        %get3A = arith.index_cast %scan3A_78 : i32 to index
        %get3A_79 = arith.constant 0 : index
        %get3A_80 = tpu.vector_load %arg8[%get3A, %get3A_79] {strides = array<i32>} : memref<640x64xf32, #tpu.memory_space<vmem>>, vector<1x16xf32>,
        %get3A_81 = vector.shape_cast %get3A_80 : vector<1x16xf32> to vector<16xf32>
        %mul3A_82 = arith.constant 8.000000e+00 : f32
        %mul3A_83 = vector.broadcast %mul3A_82 : f32 to vector<16xf32>
        %mul3A_84 = arith.mulf %get3A_81, %mul3A_83 : vector<16xf32>
        %swap3A = arith.index_cast %scan3A_78 : i32 to index
        %swap3A_85 = arith.constant 0 : index
        %swap3A_86 = tpu.vector_load %arg8[%swap3A, %swap3A_85] {strides = array<i32>} : memref<640x64xf32, #tpu.memory_space<vmem>>, vector<1x16xf32>,
        %swap3A_87 = vector.shape_cast %swap3A_86 : vector<1x16xf32> to vector<16xf32>
        %swap3A_88 = vector.shape_cast %mul3A_84 : vector<16xf32> to vector<1x16xf32>
        tpu.vector_store %arg8[%swap3A, %swap3A_85], %swap3A_88 {strides = array<i32>} : memref<640x64xf32, #tpu.memory_space<vmem>>, vector<1x16xf32>,
        %get3A_89 = arith.index_cast %scan3A_78 : i32 to index
        %get3A_90 = arith.constant 16 : index
        %get3A_91 = tpu.vector_load %arg8[%get3A_89, %get3A_90] {strides = array<i32>} : memref<640x64xf32, #tpu.memory_space<vmem>>, vector<1x16xf32>,
        %get3A_92 = vector.shape_cast %get3A_91 : vector<1x16xf32> to vector<16xf32>
        %mul3A_93 = arith.constant 8.000000e+00 : f32
        %mul3A_94 = vector.broadcast %mul3A_93 : f32 to vector<16xf32>
        %mul3A_95 = arith.mulf %get3A_92, %mul3A_94 : vector<16xf32>
        %swap3A_96 = arith.index_cast %scan3A_78 : i32 to index
        %swap3A_97 = arith.constant 16 : index
        %swap3A_98 = tpu.vector_load %arg8[%swap3A_96, %swap3A_97] {strides = array<i32>} : memref<640x64xf32, #tpu.memory_space<vmem>>, vector<1x16xf32>,
        %swap3A_99 = vector.shape_cast %swap3A_98 : vector<1x16xf32> to vector<16xf32>
        %swap3A_100 = vector.shape_cast %mul3A_95 : vector<16xf32> to vector<1x16xf32>
        tpu.vector_store %arg8[%swap3A_96, %swap3A_97], %swap3A_100 {strides = array<i32>} : memref<640x64xf32, #tpu.memory_space<vmem>>, vector<1x16xf32>,
        %get3A_101 = arith.index_cast %scan3A_78 : i32 to index
        %get3A_102 = arith.constant 32 : index
        %get3A_103 = tpu.vector_load %arg8[%get3A_101, %get3A_102] {strides = array<i32>} : memref<640x64xf32, #tpu.memory_space<vmem>>, vector<1x16xf32>,
        %get3A_104 = vector.shape_cast %get3A_103 : vector<1x16xf32> to vector<16xf32>
        %mul3A_105 = arith.constant 8.000000e+00 : f32
        %mul3A_106 = vector.broadcast %mul3A_105 : f32 to vector<16xf32>
        %mul3A_107 = arith.mulf %get3A_104, %mul3A_106 : vector<16xf32>
        %swap3A_108 = arith.index_cast %scan3A_78 : i32 to index
        %swap3A_109 = arith.constant 32 : index
        %swap3A_110 = tpu.vector_load %arg8[%swap3A_108, %swap3A_109] {strides = array<i32>} : memref<640x64xf32, #tpu.memory_space<vmem>>, vector<1x16xf32>,
        %swap3A_111 = vector.shape_cast %swap3A_110 : vector<1x16xf32> to vector<16xf32>
        %swap3A_112 = vector.shape_cast %mul3A_107 : vector<16xf32> to vector<1x16xf32>
        tpu.vector_store %arg8[%swap3A_108, %swap3A_109], %swap3A_112 {strides = array<i32>} : memref<640x64xf32, #tpu.memory_space<vmem>>, vector<1x16xf32>,
        %get3A_113 = arith.index_cast %scan3A_78 : i32 to index
        %get3A_114 = arith.constant 48 : index
        %get3A_115 = tpu.vector_load %arg8[%get3A_113, %get3A_114] {strides = array<i32>} : memref<640x64xf32, #tpu.memory_space<vmem>>, vector<1x16xf32>,
        %get3A_116 = vector.shape_cast %get3A_115 : vector<1x16xf32> to vector<16xf32>
        %mul3A_117 = arith.constant 8.000000e+00 : f32
        %mul3A_118 = vector.broadcast %mul3A_117 : f32 to vector<16xf32>
        %mul3A_119 = arith.mulf %get3A_116, %mul3A_118 : vector<16xf32>
        %swap3A_120 = arith.index_cast %scan3A_78 : i32 to index
        %swap3A_121 = arith.constant 48 : index
        %swap3A_122 = tpu.vector_load %arg8[%swap3A_120, %swap3A_121] {strides = array<i32>} : memref<640x64xf32, #tpu.memory_space<vmem>>, vector<1x16xf32>,
        %swap3A_123 = vector.shape_cast %swap3A_122 : vector<1x16xf32> to vector<16xf32>
        %swap3A_124 = vector.shape_cast %mul3A_119 : vector<16xf32> to vector<1x16xf32>
        tpu.vector_store %arg8[%swap3A_120, %swap3A_121], %swap3A_124 {strides = array<i32>} : memref<640x64xf32, #tpu.memory_space<vmem>>, vector<1x16xf32>,
        %scan3A_125 = arith.constant 1 : i32
        %scan3A_126 = arith.addi %scan3A_78, %scan3A_125 : i32
        %get3A_127 = arith.index_cast %scan3A_126 : i32 to index
        %get3A_128 = arith.constant 0 : index
        %get3A_129 = tpu.vector_load %arg8[%get3A_127, %get3A_128] {strides = array<i32>} : memref<640x64xf32, #tpu.memory_space<vmem>>, vector<1x16xf32>,
        %get3A_130 = vector.shape_cast %get3A_129 : vector<1x16xf32> to vector<16xf32>
        %mul3A_131 = arith.constant 8.000000e+00 : f32
        %mul3A_132 = vector.broadcast %mul3A_131 : f32 to vector<16xf32>
        %mul3A_133 = arith.mulf %get3A_130, %mul3A_132 : vector<16xf32>
        %swap3A_134 = arith.index_cast %scan3A_126 : i32 to index
        %swap3A_135 = arith.constant 0 : index
        %swap3A_136 = tpu.vector_load %arg8[%swap3A_134, %swap3A_135] {strides = array<i32>} : memref<640x64xf32, #tpu.memory_space<vmem>>, vector<1x16xf32>,
        %swap3A_137 = vector.shape_cast %swap3A_136 : vector<1x16xf32> to vector<16xf32>
        %swap3A_138 = vector.shape_cast %mul3A_133 : vector<16xf32> to vector<1x16xf32>
        tpu.vector_store %arg8[%swap3A_134, %swap3A_135], %swap3A_138 {strides = array<i32>} : memref<640x64xf32, #tpu.memory_space<vmem>>, vector<1x16xf32>,
        %get3A_139 = arith.index_cast %scan3A_126 : i32 to index
        %get3A_140 = arith.constant 16 : index
        %get3A_141 = tpu.vector_load %arg8[%get3A_139, %get3A_140] {strides = array<i32>} : memref<640x64xf32, #tpu.memory_space<vmem>>, vector<1x16xf32>,
        %get3A_142 = vector.shape_cast %get3A_141 : vector<1x16xf32> to vector<16xf32>
        %mul3A_143 = arith.constant 8.000000e+00 : f32
        %mul3A_144 = vector.broadcast %mul3A_143 : f32 to vector<16xf32>
        %mul3A_145 = arith.mulf %get3A_142, %mul3A_144 : vector<16xf32>
        %swap3A_146 = arith.index_cast %scan3A_126 : i32 to index
        %swap3A_147 = arith.constant 16 : index
        %swap3A_148 = tpu.vector_load %arg8[%swap3A_146, %swap3A_147] {strides = array<i32>} : memref<640x64xf32, #tpu.memory_space<vmem>>, vector<1x16xf32>,
        %swap3A_149 = vector.shape_cast %swap3A_148 : vector<1x16xf32> to vector<16xf32>
        %swap3A_150 = vector.shape_cast %mul3A_145 : vector<16xf32> to vector<1x16xf32>
        tpu.vector_store %arg8[%swap3A_146, %swap3A_147], %swap3A_150 {strides = array<i32>} : memref<640x64xf32, #tpu.memory_space<vmem>>, vector<1x16xf32>,
        %get3A_151 = arith.index_cast %scan3A_126 : i32 to index
        %get3A_152 = arith.constant 32 : index
        %get3A_153 = tpu.vector_load %arg8[%get3A_151, %get3A_152] {strides = array<i32>} : memref<640x64xf32, #tpu.memory_space<vmem>>, vector<1x16xf32>,
        %get3A_154 = vector.shape_cast %get3A_153 : vector<1x16xf32> to vector<16xf32>
        %mul3A_155 = arith.constant 8.000000e+00 : f32
        %mul3A_156 = vector.broadcast %mul3A_155 : f32 to vector<16xf32>
        %mul3A_157 = arith.mulf %get3A_154, %mul3A_156 : vector<16xf32>
        %swap3A_158 = arith.index_cast %scan3A_126 : i32 to index
        %swap3A_159 = arith.constant 32 : index
        %swap3A_160 = tpu.vector_load %arg8[%swap3A_158, %swap3A_159] {strides = array<i32>} : memref<640x64xf32, #tpu.memory_space<vmem>>, vector<1x16xf32>,
        %swap3A_161 = vector.shape_cast %swap3A_160 : vector<1x16xf32> to vector<16xf32>
        %swap3A_162 = vector.shape_cast %mul3A_157 : vector<16xf32> to vector<1x16xf32>
        tpu.vector_store %arg8[%swap3A_158, %swap3A_159], %swap3A_162 {strides = array<i32>} : memref<640x64xf32, #tpu.memory_space<vmem>>, vector<1x16xf32>,
        %get3A_163 = arith.index_cast %scan3A_126 : i32 to index
        %get3A_164 = arith.constant 48 : index
        %get3A_165 = tpu.vector_load %arg8[%get3A_163, %get3A_164] {strides = array<i32>} : memref<640x64xf32, #tpu.memory_space<vmem>>, vector<1x16xf32>,
        %get3A_166 = vector.shape_cast %get3A_165 : vector<1x16xf32> to vector<16xf32>
        %mul3A_167 = arith.constant 8.000000e+00 : f32
        %mul3A_168 = vector.broadcast %mul3A_167 : f32 to vector<16xf32>
        %mul3A_169 = arith.mulf %get3A_166, %mul3A_168 : vector<16xf32>
        %swap3A_170 = arith.index_cast %scan3A_126 : i32 to index
        %swap3A_171 = arith.constant 48 : index
        %swap3A_172 = tpu.vector_load %arg8[%swap3A_170, %swap3A_171] {strides = array<i32>} : memref<640x64xf32, #tpu.memory_space<vmem>>, vector<1x16xf32>,
        %swap3A_173 = vector.shape_cast %swap3A_172 : vector<1x16xf32> to vector<16xf32>
        %swap3A_174 = vector.shape_cast %mul3A_169 : vector<16xf32> to vector<1x16xf32>
        tpu.vector_store %arg8[%swap3A_170, %swap3A_171], %swap3A_174 {strides = array<i32>} : memref<640x64xf32, #tpu.memory_space<vmem>>, vector<1x16xf32>,
        %scan3A_175 = arith.constant 2 : i32
        %scan3A_176 = arith.addi %scan3A_78, %scan3A_175 : i32
        %get3A_177 = arith.index_cast %scan3A_176 : i32 to index
        %get3A_178 = arith.constant 0 : index
        %get3A_179 = tpu.vector_load %arg8[%get3A_177, %get3A_178] {strides = array<i32>} : memref<640x64xf32, #tpu.memory_space<vmem>>, vector<1x16xf32>,
        %get3A_180 = vector.shape_cast %get3A_179 : vector<1x16xf32> to vector<16xf32>
        %mul3A_181 = arith.constant 8.000000e+00 : f32
        %mul3A_182 = vector.broadcast %mul3A_181 : f32 to vector<16xf32>
        %mul3A_183 = arith.mulf %get3A_180, %mul3A_182 : vector<16xf32>
        %swap3A_184 = arith.index_cast %scan3A_176 : i32 to index
        %swap3A_185 = arith.constant 0 : index
        %swap3A_186 = tpu.vector_load %arg8[%swap3A_184, %swap3A_185] {strides = array<i32>} : memref<640x64xf32, #tpu.memory_space<vmem>>, vector<1x16xf32>,
        %swap3A_187 = vector.shape_cast %swap3A_186 : vector<1x16xf32> to vector<16xf32>
        %swap3A_188 = vector.shape_cast %mul3A_183 : vector<16xf32> to vector<1x16xf32>
        tpu.vector_store %arg8[%swap3A_184, %swap3A_185], %swap3A_188 {strides = array<i32>} : memref<640x64xf32, #tpu.memory_space<vmem>>, vector<1x16xf32>,
        %get3A_189 = arith.index_cast %scan3A_176 : i32 to index
        %get3A_190 = arith.constant 16 : index
        %get3A_191 = tpu.vector_load %arg8[%get3A_189, %get3A_190] {strides = array<i32>} : memref<640x64xf32, #tpu.memory_space<vmem>>, vector<1x16xf32>,
        %get3A_192 = vector.shape_cast %get3A_191 : vector<1x16xf32> to vector<16xf32>
        %mul3A_193 = arith.constant 8.000000e+00 : f32
        %mul3A_194 = vector.broadcast %mul3A_193 : f32 to vector<16xf32>
        %mul3A_195 = arith.mulf %get3A_192, %mul3A_194 : vector<16xf32>
        %swap3A_196 = arith.index_cast %scan3A_176 : i32 to index
        %swap3A_197 = arith.constant 16 : index
        %swap3A_198 = tpu.vector_load %arg8[%swap3A_196, %swap3A_197] {strides = array<i32>} : memref<640x64xf32, #tpu.memory_space<vmem>>, vector<1x16xf32>,
        %swap3A_199 = vector.shape_cast %swap3A_198 : vector<1x16xf32> to vector<16xf32>
        %swap3A_200 = vector.shape_cast %mul3A_195 : vector<16xf32> to vector<1x16xf32>
        tpu.vector_store %arg8[%swap3A_196, %swap3A_197], %swap3A_200 {strides = array<i32>} : memref<640x64xf32, #tpu.memory_space<vmem>>, vector<1x16xf32>,
        %get3A_201 = arith.index_cast %scan3A_176 : i32 to index
        %get3A_202 = arith.constant 32 : index
        %get3A_203 = tpu.vector_load %arg8[%get3A_201, %get3A_202] {strides = array<i32>} : memref<640x64xf32, #tpu.memory_space<vmem>>, vector<1x16xf32>,
        %get3A_204 = vector.shape_cast %get3A_203 : vector<1x16xf32> to vector<16xf32>
        %mul3A_205 = arith.constant 8.000000e+00 : f32
        %mul3A_206 = vector.broadcast %mul3A_205 : f32 to vector<16xf32>
        %mul3A_207 = arith.mulf %get3A_204, %mul3A_206 : vector<16xf32>
        %swap3A_208 = arith.index_cast %scan3A_176 : i32 to index
        %swap3A_209 = arith.constant 32 : index
        %swap3A_210 = tpu.vector_load %arg8[%swap3A_208, %swap3A_209] {strides = array<i32>} : memref<640x64xf32, #tpu.memory_space<vmem>>, vector<1x16xf32>,
        %swap3A_211 = vector.shape_cast %swap3A_210 : vector<1x16xf32> to vector<16xf32>
        %swap3A_212 = vector.shape_cast %mul3A_207 : vector<16xf32> to vector<1x16xf32>
        tpu.vector_store %arg8[%swap3A_208, %swap3A_209], %swap3A_212 {strides = array<i32>} : memref<640x64xf32, #tpu.memory_space<vmem>>, vector<1x16xf32>,
        %get3A_213 = arith.index_cast %scan3A_176 : i32 to index
        %get3A_214 = arith.constant 48 : index
        %get3A_215 = tpu.vector_load %arg8[%get3A_213, %get3A_214] {strides = array<i32>} : memref<640x64xf32, #tpu.memory_space<vmem>>, vector<1x16xf32>,
        %get3A_216 = vector.shape_cast %get3A_215 : vector<1x16xf32> to vector<16xf32>
        %mul3A_217 = arith.constant 8.000000e+00 : f32
        %mul3A_218 = vector.broadcast %mul3A_217 : f32 to vector<16xf32>
        %mul3A_219 = arith.mulf %get3A_216, %mul3A_218 : vector<16xf32>
        %swap3A_220 = arith.index_cast %scan3A_176 : i32 to index
        %swap3A_221 = arith.constant 48 : index
        %swap3A_222 = tpu.vector_load %arg8[%swap3A_220, %swap3A_221] {strides = array<i32>} : memref<640x64xf32, #tpu.memory_space<vmem>>, vector<1x16xf32>,
        %swap3A_223 = vector.shape_cast %swap3A_222 : vector<1x16xf32> to vector<16xf32>
        %swap3A_224 = vector.shape_cast %mul3A_219 : vector<16xf32> to vector<1x16xf32>
        tpu.vector_store %arg8[%swap3A_220, %swap3A_221], %swap3A_224 {strides = array<i32>} : memref<640x64xf32, #tpu.memory_space<vmem>>, vector<1x16xf32>,
        %scan3A_225 = arith.constant 3 : i32
        %scan3A_226 = arith.addi %scan3A_78, %scan3A_225 : i32
        %get3A_227 = arith.index_cast %scan3A_226 : i32 to index
        %get3A_228 = arith.constant 0 : index
        %get3A_229 = tpu.vector_load %arg8[%get3A_227, %get3A_228] {strides = array<i32>} : memref<640x64xf32, #tpu.memory_space<vmem>>, vector<1x16xf32>,
        %get3A_230 = vector.shape_cast %get3A_229 : vector<1x16xf32> to vector<16xf32>
        %mul3A_231 = arith.constant 8.000000e+00 : f32
        %mul3A_232 = vector.broadcast %mul3A_231 : f32 to vector<16xf32>
        %mul3A_233 = arith.mulf %get3A_230, %mul3A_232 : vector<16xf32>
        %swap3A_234 = arith.index_cast %scan3A_226 : i32 to index
        %swap3A_235 = arith.constant 0 : index
        %swap3A_236 = tpu.vector_load %arg8[%swap3A_234, %swap3A_235] {strides = array<i32>} : memref<640x64xf32, #tpu.memory_space<vmem>>, vector<1x16xf32>,
        %swap3A_237 = vector.shape_cast %swap3A_236 : vector<1x16xf32> to vector<16xf32>
        %swap3A_238 = vector.shape_cast %mul3A_233 : vector<16xf32> to vector<1x16xf32>
        tpu.vector_store %arg8[%swap3A_234, %swap3A_235], %swap3A_238 {strides = array<i32>} : memref<640x64xf32, #tpu.memory_space<vmem>>, vector<1x16xf32>,
        %get3A_239 = arith.index_cast %scan3A_226 : i32 to index
        %get3A_240 = arith.constant 16 : index
        %get3A_241 = tpu.vector_load %arg8[%get3A_239, %get3A_240] {strides = array<i32>} : memref<640x64xf32, #tpu.memory_space<vmem>>, vector<1x16xf32>,
        %get3A_242 = vector.shape_cast %get3A_241 : vector<1x16xf32> to vector<16xf32>
        %mul3A_243 = arith.constant 8.000000e+00 : f32
        %mul3A_244 = vector.broadcast %mul3A_243 : f32 to vector<16xf32>
        %mul3A_245 = arith.mulf %get3A_242, %mul3A_244 : vector<16xf32>
        %swap3A_246 = arith.index_cast %scan3A_226 : i32 to index
        %swap3A_247 = arith.constant 16 : index
        %swap3A_248 = tpu.vector_load %arg8[%swap3A_246, %swap3A_247] {strides = array<i32>} : memref<640x64xf32, #tpu.memory_space<vmem>>, vector<1x16xf32>,
        %swap3A_249 = vector.shape_cast %swap3A_248 : vector<1x16xf32> to vector<16xf32>
        %swap3A_250 = vector.shape_cast %mul3A_245 : vector<16xf32> to vector<1x16xf32>
        tpu.vector_store %arg8[%swap3A_246, %swap3A_247], %swap3A_250 {strides = array<i32>} : memref<640x64xf32, #tpu.memory_space<vmem>>, vector<1x16xf32>,
        %get3A_251 = arith.index_cast %scan3A_226 : i32 to index
        %get3A_252 = arith.constant 32 : index
        %get3A_253 = tpu.vector_load %arg8[%get3A_251, %get3A_252] {strides = array<i32>} : memref<640x64xf32, #tpu.memory_space<vmem>>, vector<1x16xf32>,
        %get3A_254 = vector.shape_cast %get3A_253 : vector<1x16xf32> to vector<16xf32>
        %mul3A_255 = arith.constant 8.000000e+00 : f32
        %mul3A_256 = vector.broadcast %mul3A_255 : f32 to vector<16xf32>
        %mul3A_257 = arith.mulf %get3A_254, %mul3A_256 : vector<16xf32>
        %swap3A_258 = arith.index_cast %scan3A_226 : i32 to index
        %swap3A_259 = arith.constant 32 : index
        %swap3A_260 = tpu.vector_load %arg8[%swap3A_258, %swap3A_259] {strides = array<i32>} : memref<640x64xf32, #tpu.memory_space<vmem>>, vector<1x16xf32>,
        %swap3A_261 = vector.shape_cast %swap3A_260 : vector<1x16xf32> to vector<16xf32>
        %swap3A_262 = vector.shape_cast %mul3A_257 : vector<16xf32> to vector<1x16xf32>
        tpu.vector_store %arg8[%swap3A_258, %swap3A_259], %swap3A_262 {strides = array<i32>} : memref<640x64xf32, #tpu.memory_space<vmem>>, vector<1x16xf32>,
        %get3A_263 = arith.index_cast %scan3A_226 : i32 to index
        %get3A_264 = arith.constant 48 : index
        %get3A_265 = tpu.vector_load %arg8[%get3A_263, %get3A_264] {strides = array<i32>} : memref<640x64xf32, #tpu.memory_space<vmem>>, vector<1x16xf32>,
        %get3A_266 = vector.shape_cast %get3A_265 : vector<1x16xf32> to vector<16xf32>
        %mul3A_267 = arith.constant 8.000000e+00 : f32
        %mul3A_268 = vector.broadcast %mul3A_267 : f32 to vector<16xf32>
        %mul3A_269 = arith.mulf %get3A_266, %mul3A_268 : vector<16xf32>
        %swap3A_270 = arith.index_cast %scan3A_226 : i32 to index
        %swap3A_271 = arith.constant 48 : index
        %swap3A_272 = tpu.vector_load %arg8[%swap3A_270, %swap3A_271] {strides = array<i32>} : memref<640x64xf32, #tpu.memory_space<vmem>>, vector<1x16xf32>,
        %swap3A_273 = vector.shape_cast %swap3A_272 : vector<1x16xf32> to vector<16xf32>
        %swap3A_274 = vector.shape_cast %mul3A_269 : vector<16xf32> to vector<1x16xf32>
        tpu.vector_store %arg8[%swap3A_270, %swap3A_271], %swap3A_274 {strides = array<i32>} : memref<640x64xf32, #tpu.memory_space<vmem>>, vector<1x16xf32>,
      }
      %scan3A_70 = arith.constant 640 : i32
      %mul3A_71 = arith.constant 640 : i32
      %mul3A_72 = arith.muli %add3A_50, %mul3A_71 : i32
      %add3A_73 = arith.addi %mul3A_2, %mul3A_72 : i32
      %dma_start3A_74 = arith.constant 0 : i32
      %dma_start3A_75 = tpu.memref_slice %arg4[%add3A_73, %dma_start3A_74] : memref<819200x64xf32, #tpu.memory_space<hbm>> -> memref<640x64xf32, #tpu.memory_space<hbm>>
      %dma_start3A_76 = arith.constant 0 : i32
      %dma_start3A_77 = tpu.memref_slice %arg4[%add3A_73, %dma_start3A_76] : memref<819200x64xf32, #tpu.memory_space<hbm>> -> memref<640x64xf32, #tpu.memory_space<hbm>>
      tpu.enqueue_dma source(%arg8 : memref<640x64xf32, #tpu.memory_space<vmem>>) target(%dma_start3A_77 : memref<640x64xf32, #tpu.memory_space<hbm>>) target_semaphore(%arg12 : memref<!tpu.dma_semaphore, #tpu.memory_space<semaphore_mem>>)
    }
    %scan3A_7 = arith.constant 20 : i32
    %add3A_8 = arith.constant 24320 : i32
    %add3A_9 = arith.addi %mul3A_2, %add3A_8 : i32
    %dma_wait3A = arith.constant 0 : i32
    %dma_wait3A_10 = tpu.memref_slice %arg4[%add3A_9, %dma_wait3A] : memref<819200x64xf32, #tpu.memory_space<hbm>> -> memref<640x64xf32, #tpu.memory_space<hbm>>
    %dma_wait3A_11 = arith.constant 0 : i32
    %dma_wait3A_12 = tpu.memref_slice %arg4[%add3A_9, %dma_wait3A_11] : memref<819200x64xf32, #tpu.memory_space<hbm>> -> memref<640x64xf32, #tpu.memory_space<hbm>>
    tpu.wait_dma2 semaphore(%arg11 : memref<!tpu.dma_semaphore, #tpu.memory_space<semaphore_mem>>) src(%arg7 : memref<640x64xf32, #tpu.memory_space<vmem>>) dst(%dma_wait3A_12 : memref<640x64xf32, #tpu.memory_space<hbm>>)
    %add3A_13 = arith.constant 24960 : i32
    %add3A_14 = arith.addi %mul3A_2, %add3A_13 : i32
    %dma_wait3A_15 = arith.constant 0 : i32
    %dma_wait3A_16 = tpu.memref_slice %arg4[%add3A_14, %dma_wait3A_15] : memref<819200x64xf32, #tpu.memory_space<hbm>> -> memref<640x64xf32, #tpu.memory_space<hbm>>
    %dma_wait3A_17 = arith.constant 0 : i32
    %dma_wait3A_18 = tpu.memref_slice %arg4[%add3A_14, %dma_wait3A_17] : memref<819200x64xf32, #tpu.memory_space<hbm>> -> memref<640x64xf32, #tpu.memory_space<hbm>>
    tpu.wait_dma2 semaphore(%arg12 : memref<!tpu.dma_semaphore, #tpu.memory_space<semaphore_mem>>) src(%arg8 : memref<640x64xf32, #tpu.memory_space<vmem>>) dst(%dma_wait3A_18 : memref<640x64xf32, #tpu.memory_space<hbm>>)
    return
  }
}

</mosaic_0001>

<sc_bundles>
// kernel: kernel.3.cloned.1.call-start
scs
__scs_entry_jumppad:
0x0: {  	(pc) =	sbr.rel $0x88, $3  }
0x1: {  	(tag) =	ssettag $0x0;
	lr =	simm.s32 $0x1  }
0x2: {  	[smem:$0x3F9F] =	sst lr;
	_ =	strace $0xD0000000  }
0x3: {  	_ = 	snop  }
0x4: {  	_ = 	snop  }
0x5: {  	_ = 	snop  }
0x6: {  	_ = 	snop  }
0x7: {  	_ = 	snop  }
__scs_overlays_trampoline_lowered:
0x8: {  	[smem:$0x3FAE] =	sst s0  }
0x9: {  	[smem:$0x3FAF] =	sst s1  }
0xa: {  	[smem:$0x3FB0] =	sst s2  }
0xb: {  	[smem:$0x3FB1] =	sst s3  }
0xc: {  	[smem:$0x3FB2] =	sst s4  }
0xd: {  	[smem:$0x3FB3] =	sst s5  }
0xe: {  	[smem:$0x3FB4] =	sst s6  }
0xf: {  	[smem:$0x3FB5] =	sst s7  }
0x10: {  	[smem:$0x3FB6] =	sst s8  }
0x11: {  	[smem:$0x3FB7] =	sst s9;
	s0 =	simm.s32 @!p0 $0x0  }
0x12: {  	s1 =	sld [smem:$0x3F9D];
	s0 =	simm.s32 @p0 $0x1  }
0x13: {  	[smem:$0x3FB8] =	sst s0;
	s0 =	simm.s32 @!p1 $0x0  }
0x14: {  	s2 =	sld [smem:$0x3F9C];
	s0 =	simm.s32 @p1 $0x1  }
0x15: {  	[smem:$0x3FB9] =	sst s0;
	s0 =	simm.s32 @!p2 $0x0  }
0x16: {  	s3 =	sld [smem:$0x3FDB];
	s0 =	simm.s32 @p2 $0x1  }
0x17: {  	s4 =	simm.s32 $0x1BF5;
	[smem:$0x3FBB] =	sst s0  }
0x18: {  	s0 =	sld [smem:$0x3F9E];
	_ =	swait.ge [sflag:s4], $0x0  }
0x19: {  	s7 =	sld [smem:$0x3F9F]  }
0x1a: {  	s8 =	sadd.s32 $0xFFFFE003, lr  }
0x1b: {  	s9 =	sadd.s32 $0xFFFFFEF7, lr;
	s5 =	simm.s32 $0xFFFFFFFF;
	p2 =	slt.u32 s8, $0xFFFFF086  }
0x1c: {  	p1 =	slt.u32 s9, $0xF7A;
	s5 =	simm.s32 @!p2 $0x0  }
0x1d: {  	s5 =	simm.s32 @p1 $0x1;
	p0 =	seq.s32 s7, s2  }
0x1e: {  	s7 =	smul.u32 @!p0 $0xF7A, s2;
	p2 =	seq.s32 @!p0 s5, $0x0  }
0x1f: {  	s9 =	smul.u32 $0xF7A, s1;
	s8 =	simm.s32 @!p0 $0x1BF5;
	p2 =	por !p2, p0  }
0x20: {  	[sflag:s8] =	ssyncset.s32 @!p0 $0xFFFFF086;
	s6 =	sadd.s32 @!p0 s3, s7;
	s7 =	simm.s32 @!p0 $0x108  }
0x21: {  	s3 =	sadd.s32 s3, s9;
	s6 =	sadd.s32 @!p0 $0x88, s6;
	s7 =	simm.s32 @p2 $0x1082  }
0x22: {  	[simem:s7], [sflag:s8] =	dma.local @!p0 [hbm:s6], $0xF7A  }
0x23: {  	s9 =	sor.u32 $0xD0000000, s2;
	s6 =	simm.s32 $0x108;
	_ =	swait.ge @!p0 [sflag:s8], $0x0  }
0x24: {  	s3 =	sadd.s32 $0x88, s3;
	s6 =	simm.s32 @!p1 $0x1082;
	[sflag:s4] =	ssyncset.s32 $0xFFFFF086  }
0x25: {  	[simem:s6], [sflag:s4] =	dma.local [hbm:s3], $0xF7A  }
0x26: {  	[smem:$0x3F9F] =	sst s1;
	(tag) =	ssettag s2;
	_ =	strace s9  }
0x27: {  	s1 =	sld [smem:$0x3FAF]  }
0x28: {  	s2 =	sld [smem:$0x3FB0]  }
0x29: {  	s4 =	sld [smem:$0x3FB2]  }
0x2a: {  	p0 =	seq.s32 s5, $0x0;
	s5 =	sld [smem:$0x3FB3]  }
0x2b: {  	s6 =	sld [smem:$0x3FB4]  }
0x2c: {  	s7 =	sld [smem:$0x3FB5]  }
0x2d: {  	s3 =	simm.s32 $0x108;
	s8 =	sld [smem:$0x3FB6]  }
0x2e: {  	s3 =	simm.s32 @!p0 $0x1082;
	s9 =	sld [smem:$0x3FB7]  }
0x2f: {  	lr =	sadd.s32 s0, s3;
	s0 =	sld [smem:$0x3FAE]  }
0x30: {  	s3 =	sld [smem:$0x3FB1]  }
0x31: {  	[smem:$0x3FBA] =	sst s10  }
0x32: {  	s10 =	sld [smem:$0x3FB8];
	_ =	sdelay $0x3  }
0x33: {  	p0 =	seq.s32 s10, $0x1;
	s10 =	sld [smem:$0x3FBA];
	_ =	sdelay $0x3  }
0x34: {  	[smem:$0x3FBA] =	sst s10  }
0x35: {  	s10 =	sld [smem:$0x3FB9];
	_ =	sdelay $0x3  }
0x36: {  	p1 =	seq.s32 s10, $0x1;
	s10 =	sld [smem:$0x3FBA];
	_ =	sdelay $0x3  }
0x37: {  	[smem:$0x3FBA] =	sst s10  }
0x38: {  	s10 =	sld [smem:$0x3FBB]  }
0x39: {  	_ = 	snop;
	(pc) =	sbr.ind lr, $3  }
0x3a: {  	_ = 	snop  }
0x3b: {  	_ = 	snop  }
0x3c: {  	p2 =	seq.s32 s10, $0x1;
	s10 =	sld [smem:$0x3FBA]  }
0x3d: {  	_ =	shalt  }
0x3e: {  	_ =	shalt  }
0x3f: {  	_ =	shalt  }
0x40: {  	_ =	shalt  }
0x41: {  	_ =	shalt  }
0x42: {  	_ =	shalt  }
0x43: {  	_ =	shalt  }
0x44: {  	_ =	shalt  }
0x45: {  	_ =	shalt  }
0x46: {  	_ =	shalt  }
0x47: {  	_ =	shalt  }
0x48: {  	_ =	shalt  }
0x49: {  	_ =	shalt  }
0x4a: {  	_ =	shalt  }
0x4b: {  	_ =	shalt  }
0x4c: {  	_ =	shalt  }
0x4d: {  	_ =	shalt  }
0x4e: {  	_ =	shalt  }
0x4f: {  	_ =	shalt  }
0x50: {  	_ =	shalt  }
0x51: {  	_ =	shalt  }
0x52: {  	_ =	shalt  }
0x53: {  	_ =	shalt  }
0x54: {  	_ =	shalt  }
0x55: {  	_ =	shalt  }
0x56: {  	_ =	shalt  }
0x57: {  	_ =	shalt  }
0x58: {  	_ =	shalt  }
0x59: {  	_ =	shalt  }
0x5a: {  	_ =	shalt  }
0x5b: {  	_ =	shalt  }
0x5c: {  	_ =	shalt  }
0x5d: {  	_ =	shalt  }
0x5e: {  	_ =	shalt  }
0x5f: {  	_ =	shalt  }
0x60: {  	_ =	shalt  }
0x61: {  	_ =	shalt  }
0x62: {  	_ =	shalt  }
0x63: {  	_ =	shalt  }
0x64: {  	_ =	shalt  }
0x65: {  	_ =	shalt  }
0x66: {  	_ =	shalt  }
0x67: {  	_ =	shalt  }
0x68: {  	_ =	shalt  }
0x69: {  	_ =	shalt  }
0x6a: {  	_ =	shalt  }
0x6b: {  	_ =	shalt  }
0x6c: {  	_ =	shalt  }
0x6d: {  	_ =	shalt  }
0x6e: {  	_ =	shalt  }
0x6f: {  	_ =	shalt  }
0x70: {  	_ =	shalt  }
0x71: {  	_ =	shalt  }
0x72: {  	_ =	shalt  }
0x73: {  	_ =	shalt  }
0x74: {  	_ =	shalt  }
0x75: {  	_ =	shalt  }
0x76: {  	_ =	shalt  }
0x77: {  	_ =	shalt  }
0x78: {  	_ =	shalt  }
0x79: {  	_ =	shalt  }
0x7a: {  	_ =	shalt  }
0x7b: {  	_ =	shalt  }
0x7c: {  	_ =	shalt  }
0x7d: {  	_ =	shalt  }
0x7e: {  	_ =	shalt  }
0x7f: {  	_ =	shalt  }
0x80: {  	_ =	shalt  }
0x81: {  	_ =	shalt  }
0x82: {  	_ =	shalt  }
0x83: {  	_ =	shalt  }
0x84: {  	_ =	shalt  }
0x85: {  	_ =	shalt  }
0x86: {  	_ =	shalt  }
0x87: {  	_ =	shalt  }
.Lfunc_end0:
.L_simem_size_0:
called_computation.1_lowered:
.L_overlay_start_0:
0x88: {  	s2 =	sld [smem:$0x3FD9]  }
0x89: {  	s3 =	sld [smem:$0x3FFE];
	_ =	sdelay $0x1  }
0x8a: {  	s1 =	srdreg.scid  }
0x8b: {  	s0 =	sand.u32 $0x1, s1  }
0x8c: {  	s17 =	sshll.u32 s0, $0xA;
	s2 =	sadd.s32 s3, s2  }
0x8d: {  	s2 =	sadd.s32 s2, s17  }
0x8e: {  	[smem:$0x3FC6] =	sst s2  }
0x8f: {  	_ = 	snop  }
0x90: {  	s2 =	sld [smem:$0x3FD0];
	(tm) =	ssettm $0x1  }
0x91: {  	s18 =	sld [smem:$0x3FFB];
	_ =	sdelay $0x3  }
0x92: {  	_ =	strace s18  }
0x93: {  	s3 =	sld [smem:$0x3FFC];
	_ =	sdelay $0x3  }
0x94: {  	_ =	strace s3  }
0x95: {  	s3 =	sld [smem:$0x3FFD];
	_ =	sdelay $0x3  }
0x96: {  	_ =	strace s3  }
0x97: {  	_ =	strace $0x8FFFFFFF  }
0x98: {  	s19 =	sld [smem:$0x3FDB];
	_ =	sdelay $0x1  }
0x99: {  	s4 =	simm.s32 $_scs_section_size  }
0x9a: {  	s5 =	simm.s32 $_size__tile_overlayer_lowered;
	s6 =	simm.s32 $_tile_overlayer_lowered  }
0x9b: {  	s22 =	simm.s32 $0x1BFF;
	s21 =	sshll.u32 s6, $0x1;
	s3 =	sadd.s32 s4, s19  }
0x9c: {  	s7 =	simm.s32 $0x0;
	s20 =	sshll.u32 s5, $0x1;
	s5 =	sadd.s32 s21, s3  }
0x9d: {  	[timem:s7], [sflag:s22] =	dma.local [hbm:s5], s20  }
0x9e: {  	_ =	swait.ge [sflag:s22], s20  }
0x9f: {  	s4 =	ssub.s32 $0x0, s20;
	[sflag:s22] =	ssyncset.done $0x0  }
0xa0: {  	[sflag:s22] =	ssyncadd.s32 s4;
	_ =	sdelay $0x1  }
0xa1: {  	s23 =	simm.s32 $0x1B8B  }
0xa2: {  	_ =	swait.ge [sflag:s23], $0x1  }
0xa3: {  	[sflag:s23] =	ssyncset.done $0x0  }
0xa4: {  	s25 =	simm.s32 $0x1B8E;
	s24 =	sld [smem:$0x3FFE];
	[sflag:s23] =	ssyncadd.s32 $0xFFFFFFFF  }
0xa5: {  	s26 =	simm.s32 $execute0_lowered;
	[smem:$0x3FD2] =	sst s25  }
0xa6: {  	s5 =	sshll.u32 s26, $0x1;
	_ =	strace $0x80000046;
	[dreg:$0x1] =	wrdreg $0xFFFFFFFF  }
0xa7: {  	s28 =	simm.s32 $_size_execute0_lowered;
	s3 =	sadd.s32 s3, s5;
	[dreg:$0x0] =	wrdreg $0x0  }
0xa8: {  	s5 =	sshll.u32 s28, $0x1;
	[dreg:$0x2] =	wrdreg s3  }
0xa9: {  	[dreg:$0x3] =	wrdreg s5  }
0xaa: {  	[dreg:$0x4] =	wrdreg $0xC0  }
0xab: {  	_ =	task [dreg:s7], $0x5FFFF  }
0xac: {  	[dreg:$0x1] =	wrdreg $0xFFFFFFFF  }
0xad: {  	[dreg:$0x0] =	wrdreg $0x60  }
0xae: {  	[dreg:$0x2] =	wrdreg s24  }
0xaf: {  	[dreg:$0x3] =	wrdreg s2  }
0xb0: {  	[dreg:$0x4] =	wrdreg $0x9  }
0xb1: {  	_ =	task.clear_ibuf [dreg:s7], $0x5FFFF;
	_ =	strace $0x90000046  }
0xb2: {  	s29 =	simm.s32 $0x9;
	_ =	strace $0x80000048  }
0xb3: {  	_ =	swait.ge [sflag:s29], $0x1  }
0xb4: {  	[sflag:s29] =	ssyncadd.s32 $0xFFFFFFFF  }
0xb5: {  	_ =	strace $0x90000048  }
0xb6: {  	_ =	sfence  }
0xb7: {  	s30 =	sld [smem:$0x0];
	_ =	sdelay $0x2  }
0xb8: {  	s31 =	sshll.u32 s1, $0xD;
	s1 =	sshrl.u32 s1, $0x2  }
0xb9: {  	s3 =	sand.u32 $0x4000, s31;
	s1 =	sadd.s32 s1, s30  }
0xba: {  	s0 =	sor.u32 s3, s0;
	s1 =	sshll.u32 s1, $0x11  }
0xbb: {  	s0 =	sor.u32 s1, s0  }
0xbc: {  	s0 =	sadd.s32 $0x8F2B, s0  }
0xbd: {  	[sflag:s0] =	ssyncadd.remote.s32 $0x1  }
0xbe: {  	_ =	sfence.sel $0xFFFF  }
0xbf: {  	[dreg:$0x0] =	wrdreg $0xFFFFFFFF;
	(pc) =	sbr.abs _section_cstart, $3  }
0xc0: {  	[dreg:$0x1] =	wrdreg $0xFFFFFFFF  }
0xc1: {  	_ =	task.clear_ibuf [dreg:s7], $0x2FFFF;
	_ =	strace $0x9FFFFFFF  }
0xc2: {  	(tm) =	ssettm $0x7FFFFFFF  }
0xc3: {  	_ =	shalt  }
tec
execute0_lowered:
.L_overlay_start_1:
0x0: {  	(tag) =	ssettag $0x1  }
0x1: {  	s6 =	rddreg [dreg:$0x0]  }
0x2: {  	s2 =	rddreg [dreg:$0x1]  }
0x3: {  	s3 =	srdreg.scid;
	s1 =	stileid.u32  }
0x4: {  	s0 =	rddreg [dreg:$0x2];
	s9 =	simm.s32 $0x5;
	s10 =	simm.s32 $0x280  }
0x5: {  	s11 =	simm.s32 $0x500;
	s12 =	simm.s32 $0x1;
	s13 =	simm.s32 $0xA500  }
0x6: {  	s14 =	simm.s32 $0x2;
	s15 =	simm.s32 $0x3;
	s16 =	simm.s32 $0x4  }
0x7: {  	s17 =	simm.s32 $0x0;
	s4 =	sand.u32 $0x1, s3;
	s5 =	sshll.u32 s1, $0x1  }
0x8: {  	s3 =	simm.s32 $0x0;
	s7 =	ssub.s32 $0x2, s4;
	s4 =	sor.u32 s4, s5  }
0x9: {  	[smem:$0x7FF] =	sst s3;
	s8 =	sshrl.u32 s7, $0x1;
	s4 =	smul.u32 $0x6400, s4  }
0xa: {  	s5 =	sadd.s32 $0xA00, s6;
	s6 =	sadd.s32 $0xF42E00, s6;
	s8 =	ssub.s32 s7, s8  }
0xb: {  	_ =	strace $0x80000047;
	s7 =	sor.u32 $0x280, s4;
	s8 =	smax.u32 s8, $0x1  }
.LBB2_1:
0xc: {  	s18 =	simm.s32 $0x0  }
.LBB2_2:
0xd: {  	p0 =	seq.s32 s18, $0x0;
	s19 =	smul.u32 $0x500, s18  }
0xe: {  	s21 =	simm.s32 @!p0 $0x3  }
0xf: {  	_ =	swait.ge @!p0 [sflag:s21], $0xA000;
	s20 =	sadd.s32 s4, s19  }
0x10: {  	[sflag:s21] =	ssyncset.done @!p0 $0x0;
	s22 =	sshrl.u32 s20, $0x3  }
0x11: {  	[sflag:s21] =	ssyncadd.s32 @!p0 $0xFFFF6000;
	s31 =	sadd.s32 s5, s22  }
0x12: {  	[tilespmem:s3], [sflag:$0x5] =	stream.linear.gather [hbm4b:s31+s3], $0x280, $0x38;
	[tilespmem:$0x14500] =	vst v63  }
0x13: {  	_ =	swait.ge [sflag:s9], $0x280  }
0x14: {  	[sflag:s9] =	ssyncset.done $0x0  }
0x15: {  	[sflag:s9] =	ssyncadd.s32 $0xFFFFFD80  }
0x16: {  	[tilespmem:s11], [sflag:$0x1] =	stream.indirect.gather [hbm4b:s6+s10], $0x40, s3, s10, $0xb8;
	[tilespmem:$0x14500] =	vst v63  }
0x17: {  	_ =	swait.ge [sflag:s12], $0xA000  }
0x18: {  	[sflag:s12] =	ssyncset.done $0x0  }
0x19: {  	s21 =	simm.s32 $0x580;
	[sflag:s12] =	ssyncadd.s32 $0xFFFF6000  }
0x1a: {  	v0 =	vld [tilespmem:s21+$0xFFFFFF80]  }
0x1b: {  	v1 =	vld [tilespmem:s21+$0xFFFFFF90]  }
0x1c: {  	v2 =	vld [tilespmem:s21+$0xFFFFFFA0]  }
0x1d: {  	v3 =	vld [tilespmem:s21+$0xFFFFFFB0]  }
0x1e: {  	v4 =	vld [tilespmem:s21+$0xFFFFFFC0]  }
0x1f: {  	v5 =	vld [tilespmem:s21+$0xFFFFFFD0];
	v0 =	vmul.f32 $8.000000000e+00, v0  }
0x20: {  	v6 =	vld [tilespmem:s21+$0xFFFFFFE0];
	v1 =	vmul.f32 $8.000000000e+00, v1  }
0x21: {  	[tilespmem:s21+$0xFFFFFF80] =	vst v0;
	v0 =	vmul.f32 $8.000000000e+00, v2;
	v2 =	vld [tilespmem:s21+$0x0]  }
0x22: {  	[tilespmem:s21+$0xFFFFFF90] =	vst v1;
	v1 =	vmul.f32 $8.000000000e+00, v3;
	v3 =	vld [tilespmem:s21+$0x10]  }
0x23: {  	[tilespmem:s21+$0xFFFFFFA0] =	vst v0;
	v0 =	vmul.f32 $8.000000000e+00, v4;
	v4 =	vld [tilespmem:s21+$0x20]  }
0x24: {  	v7 =	vld [tilespmem:s21+$0x30];
	[tilespmem:s21+$0xFFFFFFB0] =	vst v1;
	v1 =	vmul.f32 $8.000000000e+00, v5  }
0x25: {  	v5 =	vmul.f32 $8.000000000e+00, v6;
	[tilespmem:s21+$0xFFFFFFC0] =	vst v0;
	v0 =	vld [tilespmem:s21+$0x40]  }
0x26: {  	[tilespmem:s21+$0xFFFFFFD0] =	vst v1;
	v1 =	vld [tilespmem:s21+$0x50];
	v2 =	vmul.f32 $8.000000000e+00, v2  }
0x27: {  	[tilespmem:s21+$0xFFFFFFE0] =	vst v5;
	v6 =	vmul.f32 $8.000000000e+00, v3;
	v3 =	vld [tilespmem:s21+$0x60]  }
0x28: {  	[tilespmem:s21+$0x0] =	vst v2;
	v5 =	vmul.f32 $8.000000000e+00, v4;
	v4 =	vld [tilespmem:s21+$0x70]  }
0x29: {  	s23 =	simm.s32 $0x680;
	s22 =	simm.s32 $0x0;
	v2 =	vld [tilespmem:s21+$0xFFFFFFF0];
	[tilespmem:s21+$0x10] =	vst v6;
	v6 =	vmul.f32 $8.000000000e+00, v7  }
.LBB2_3:
0x2a: {  	v7 =	vld [tilespmem:s23+$0xFFFFFF80];
	[tilespmem:s21+$0x20] =	vst v5;
	v0 =	vmul.f32 $8.000000000e+00, v0  }
0x2b: {  	v5 =	vld [tilespmem:s23+$0xFFFFFF90];
	[tilespmem:s21+$0x30] =	vst v6;
	v1 =	vmul.f32 $8.000000000e+00, v1  }
0x2c: {  	v6 =	vld [tilespmem:s23+$0xFFFFFFA0];
	[tilespmem:s21+$0x40] =	vst v0;
	v0 =	vmul.f32 $8.000000000e+00, v3  }
0x2d: {  	v3 =	vld [tilespmem:s23+$0xFFFFFFB0];
	[tilespmem:s21+$0x50] =	vst v1;
	v1 =	vmul.f32 $8.000000000e+00, v4  }
0x2e: {  	v4 =	vld [tilespmem:s23+$0xFFFFFFC0];
	v2 =	vmul.f32 $8.000000000e+00, v2;
	[tilespmem:s21+$0x60] =	vst v0  }
0x2f: {  	v0 =	vmul.f32 $8.000000000e+00, v7;
	v7 =	vld [tilespmem:s23+$0xFFFFFFD0];
	[tilespmem:s21+$0x70] =	vst v1  }
0x30: {  	v1 =	vmul.f32 $8.000000000e+00, v5;
	v5 =	vld [tilespmem:s23+$0xFFFFFFE0];
	[tilespmem:s21+$0xFFFFFFF0] =	vst v2;
	s21 =	smov.u32 s23  }
0x31: {  	[tilespmem:s23+$0xFFFFFF80] =	vst v0;
	v0 =	vmul.f32 $8.000000000e+00, v6;
	v2 =	vld [tilespmem:s23+$0x0]  }
0x32: {  	[tilespmem:s23+$0xFFFFFF90] =	vst v1;
	v1 =	vmul.f32 $8.000000000e+00, v3;
	v3 =	vld [tilespmem:s23+$0x10]  }
0x33: {  	s22 =	sadd.s32 $0x4, s22;
	[tilespmem:s23+$0xFFFFFFA0] =	vst v0;
	v0 =	vmul.f32 $8.000000000e+00, v4;
	v4 =	vld [tilespmem:s23+$0x20]  }
0x34: {  	p1 =	slt.u32 s22, $0x27C;
	[tilespmem:s23+$0xFFFFFFB0] =	vst v1;
	v1 =	vmul.f32 $8.000000000e+00, v7;
	v6 =	vld [tilespmem:s23+$0x30]  }
.Ltmp0:
0x35: {  	[tilespmem:s23+$0xFFFFFFC0] =	vst v0;
	v5 =	vmul.f32 $8.000000000e+00, v5;
	v0 =	vld [tilespmem:s23+$0x40];
	(pc) =	sbr.rel @p1 .LBB2_3-.Ltmp0, $4  }
0x36: {  	[tilespmem:s23+$0xFFFFFFD0] =	vst v1;
	v2 =	vmul.f32 $8.000000000e+00, v2;
	v1 =	vld [tilespmem:s23+$0x50]  }
0x37: {  	[tilespmem:s23+$0xFFFFFFE0] =	vst v5;
	v7 =	vmul.f32 $8.000000000e+00, v3;
	v3 =	vld [tilespmem:s23+$0x60]  }
0x38: {  	[tilespmem:s23+$0x0] =	vst v2;
	v5 =	vmul.f32 $8.000000000e+00, v4;
	v4 =	vld [tilespmem:s23+$0x70]  }
0x39: {  	s23 =	sadd.s32 $0x100, s23;
	v2 =	vld [tilespmem:s21+$0xFFFFFFF0];
	[tilespmem:s21+$0x10] =	vst v7;
	v6 =	vmul.f32 $8.000000000e+00, v6  }
0x3a: {  	[tilespmem:s21+$0x20] =	vst v5;
	v0 =	vmul.f32 $8.000000000e+00, v0  }
0x3b: {  	[tilespmem:s21+$0x30] =	vst v6;
	v1 =	vmul.f32 $8.000000000e+00, v1  }
0x3c: {  	[tilespmem:s21+$0x40] =	vst v0;
	v0 =	vmul.f32 $8.000000000e+00, v3  }
0x3d: {  	[tilespmem:s21+$0x50] =	vst v1;
	v1 =	vmul.f32 $8.000000000e+00, v4  }
0x3e: {  	v2 =	vmul.f32 $8.000000000e+00, v2;
	[tilespmem:s21+$0x60] =	vst v0  }
0x3f: {  	s20 =	sshll.u32 s20, $0x3;
	[tilespmem:s21+$0x70] =	vst v1  }
0x40: {  	s20 =	sadd.s32 s2, s20;
	[tilespmem:s21+$0xFFFFFFF0] =	vst v2  }
0x41: {  	[hbm4b:s20+s3] =	stream.linear.scatter [tilespmem:s11], [sflag:$0x3], $0xA000, $0x38;
	[tilespmem:$0x14500] =	vst v63  }
0x42: {  	s20 =	simm.s32 @!p0 $0x4  }
0x43: {  	s19 =	sadd.s32 s19, s7;
	_ =	swait.ge @!p0 [sflag:s20], $0xA000  }
0x44: {  	s30 =	sshrl.u32 s19, $0x3;
	[sflag:s20] =	ssyncset.done @!p0 $0x0  }
0x45: {  	s31 =	sadd.s32 s5, s30;
	[sflag:s20] =	ssyncadd.s32 @!p0 $0xFFFF6000  }
0x46: {  	[tilespmem:s10], [sflag:$0x5] =	stream.linear.gather [hbm4b:s31+s3], $0x280, $0x38;
	[tilespmem:$0x14500] =	vst v63  }
0x47: {  	_ =	swait.ge [sflag:s9], $0x280  }
0x48: {  	[sflag:s9] =	ssyncset.done $0x0  }
0x49: {  	[sflag:s9] =	ssyncadd.s32 $0xFFFFFD80  }
0x4a: {  	[tilespmem:s13], [sflag:$0x2] =	stream.indirect.gather [hbm4b:s6+s10], $0x40, s10, s10, $0xb8;
	[tilespmem:$0x14500] =	vst v63  }
0x4b: {  	_ =	swait.ge [sflag:s14], $0xA000  }
0x4c: {  	[sflag:s14] =	ssyncset.done $0x0  }
0x4d: {  	s20 =	simm.s32 $0xA580;
	[sflag:s14] =	ssyncadd.s32 $0xFFFF6000  }
0x4e: {  	v0 =	vld [tilespmem:s20+$0xFFFFFF80]  }
0x4f: {  	v1 =	vld [tilespmem:s20+$0xFFFFFF90]  }
0x50: {  	v2 =	vld [tilespmem:s20+$0xFFFFFFA0]  }
0x51: {  	v3 =	vld [tilespmem:s20+$0xFFFFFFB0]  }
0x52: {  	v4 =	vld [tilespmem:s20+$0xFFFFFFC0]  }
0x53: {  	v5 =	vld [tilespmem:s20+$0xFFFFFFD0];
	v0 =	vmul.f32 $8.000000000e+00, v0  }
0x54: {  	v6 =	vld [tilespmem:s20+$0xFFFFFFE0];
	v1 =	vmul.f32 $8.000000000e+00, v1  }
0x55: {  	[tilespmem:s20+$0xFFFFFF80] =	vst v0;
	v0 =	vmul.f32 $8.000000000e+00, v2;
	v2 =	vld [tilespmem:s20+$0x0]  }
0x56: {  	[tilespmem:s20+$0xFFFFFF90] =	vst v1;
	v1 =	vmul.f32 $8.000000000e+00, v3;
	v3 =	vld [tilespmem:s20+$0x10]  }
0x57: {  	[tilespmem:s20+$0xFFFFFFA0] =	vst v0;
	v0 =	vmul.f32 $8.000000000e+00, v4;
	v4 =	vld [tilespmem:s20+$0x20]  }
0x58: {  	v7 =	vld [tilespmem:s20+$0x30];
	[tilespmem:s20+$0xFFFFFFB0] =	vst v1;
	v1 =	vmul.f32 $8.000000000e+00, v5  }
0x59: {  	v5 =	vmul.f32 $8.000000000e+00, v6;
	[tilespmem:s20+$0xFFFFFFC0] =	vst v0;
	v0 =	vld [tilespmem:s20+$0x40]  }
0x5a: {  	[tilespmem:s20+$0xFFFFFFD0] =	vst v1;
	v1 =	vld [tilespmem:s20+$0x50];
	v2 =	vmul.f32 $8.000000000e+00, v2  }
0x5b: {  	[tilespmem:s20+$0xFFFFFFE0] =	vst v5;
	v6 =	vmul.f32 $8.000000000e+00, v3;
	v3 =	vld [tilespmem:s20+$0x60]  }
0x5c: {  	[tilespmem:s20+$0x0] =	vst v2;
	v5 =	vmul.f32 $8.000000000e+00, v4;
	v4 =	vld [tilespmem:s20+$0x70]  }
0x5d: {  	s22 =	simm.s32 $0xA680;
	s21 =	simm.s32 $0x0;
	v2 =	vld [tilespmem:s20+$0xFFFFFFF0];
	[tilespmem:s20+$0x10] =	vst v6;
	v6 =	vmul.f32 $8.000000000e+00, v7  }
.LBB2_5:
0x5e: {  	v7 =	vld [tilespmem:s22+$0xFFFFFF80];
	[tilespmem:s20+$0x20] =	vst v5;
	v0 =	vmul.f32 $8.000000000e+00, v0  }
0x5f: {  	v5 =	vld [tilespmem:s22+$0xFFFFFF90];
	[tilespmem:s20+$0x30] =	vst v6;
	v1 =	vmul.f32 $8.000000000e+00, v1  }
0x60: {  	v6 =	vld [tilespmem:s22+$0xFFFFFFA0];
	[tilespmem:s20+$0x40] =	vst v0;
	v0 =	vmul.f32 $8.000000000e+00, v3  }
0x61: {  	v3 =	vld [tilespmem:s22+$0xFFFFFFB0];
	[tilespmem:s20+$0x50] =	vst v1;
	v1 =	vmul.f32 $8.000000000e+00, v4  }
0x62: {  	v4 =	vld [tilespmem:s22+$0xFFFFFFC0];
	v2 =	vmul.f32 $8.000000000e+00, v2;
	[tilespmem:s20+$0x60] =	vst v0  }
0x63: {  	v0 =	vmul.f32 $8.000000000e+00, v7;
	v7 =	vld [tilespmem:s22+$0xFFFFFFD0];
	[tilespmem:s20+$0x70] =	vst v1  }
0x64: {  	v1 =	vmul.f32 $8.000000000e+00, v5;
	v5 =	vld [tilespmem:s22+$0xFFFFFFE0];
	[tilespmem:s20+$0xFFFFFFF0] =	vst v2;
	s20 =	smov.u32 s22  }
0x65: {  	[tilespmem:s22+$0xFFFFFF80] =	vst v0;
	v0 =	vmul.f32 $8.000000000e+00, v6;
	v2 =	vld [tilespmem:s22+$0x0]  }
0x66: {  	[tilespmem:s22+$0xFFFFFF90] =	vst v1;
	v1 =	vmul.f32 $8.000000000e+00, v3;
	v3 =	vld [tilespmem:s22+$0x10]  }
0x67: {  	s21 =	sadd.s32 $0x4, s21;
	[tilespmem:s22+$0xFFFFFFA0] =	vst v0;
	v0 =	vmul.f32 $8.000000000e+00, v4;
	v4 =	vld [tilespmem:s22+$0x20]  }
0x68: {  	p0 =	slt.u32 s21, $0x27C;
	[tilespmem:s22+$0xFFFFFFB0] =	vst v1;
	v1 =	vmul.f32 $8.000000000e+00, v7;
	v6 =	vld [tilespmem:s22+$0x30]  }
.Ltmp1:
0x69: {  	[tilespmem:s22+$0xFFFFFFC0] =	vst v0;
	v5 =	vmul.f32 $8.000000000e+00, v5;
	v0 =	vld [tilespmem:s22+$0x40];
	(pc) =	sbr.rel @p0 .LBB2_5-.Ltmp1, $4  }
0x6a: {  	[tilespmem:s22+$0xFFFFFFD0] =	vst v1;
	v2 =	vmul.f32 $8.000000000e+00, v2;
	v1 =	vld [tilespmem:s22+$0x50]  }
0x6b: {  	[tilespmem:s22+$0xFFFFFFE0] =	vst v5;
	v7 =	vmul.f32 $8.000000000e+00, v3;
	v3 =	vld [tilespmem:s22+$0x60]  }
0x6c: {  	[tilespmem:s22+$0x0] =	vst v2;
	v5 =	vmul.f32 $8.000000000e+00, v4;
	v4 =	vld [tilespmem:s22+$0x70]  }
0x6d: {  	s22 =	sadd.s32 $0x100, s22;
	v2 =	vld [tilespmem:s20+$0xFFFFFFF0];
	[tilespmem:s20+$0x10] =	vst v7;
	v6 =	vmul.f32 $8.000000000e+00, v6  }
0x6e: {  	[tilespmem:s20+$0x20] =	vst v5;
	v0 =	vmul.f32 $8.000000000e+00, v0  }
0x6f: {  	s18 =	sadd.s32 $0x1, s18;
	[tilespmem:s20+$0x30] =	vst v6;
	v1 =	vmul.f32 $8.000000000e+00, v1  }
0x70: {  	p0 =	sne.s32 s18, $0x14;
	[tilespmem:s20+$0x40] =	vst v0;
	v62 =	vmul.f32 $8.000000000e+00, v3  }
.Ltmp2:
0x71: {  	[tilespmem:s20+$0x50] =	vst v1;
	v63 =	vmul.f32 $8.000000000e+00, v4;
	(pc) =	sbr.rel @p0 .LBB2_2-.Ltmp2, $4  }
0x72: {  	s19 =	sshll.u32 s19, $0x3;
	v2 =	vmul.f32 $8.000000000e+00, v2;
	[tilespmem:s20+$0x60] =	vst v62  }
0x73: {  	s19 =	sand.u32 $0x1FFFFC00, s19;
	[tilespmem:s20+$0x70] =	vst v63  }
0x74: {  	s19 =	sadd.s32 s2, s19;
	[tilespmem:s20+$0xFFFFFFF0] =	vst v2  }
0x75: {  	[hbm4b:s19+s3] =	stream.linear.scatter [tilespmem:s13], [sflag:$0x4], $0xA000, $0x38;
	[tilespmem:$0x14500] =	vst v63  }
0x76: {  	s17 =	sadd.s32 $0x1, s17  }
0x77: {  	_ =	swait.ge [sflag:s15], $0xA000;
	p0 =	sne.s32 s17, s8  }
.Ltmp3:
0x78: {  	[sflag:s15] =	ssyncset.done $0x0;
	(pc) =	sbr.rel @p0 .LBB2_1-.Ltmp3, $4  }
0x79: {  	[sflag:s15] =	ssyncadd.s32 $0xFFFF6000  }
0x7a: {  	_ =	swait.ge [sflag:s16], $0xA000  }
0x7b: {  	[sflag:s16] =	ssyncset.done $0x0  }
0x7c: {  	[sflag:s16] =	ssyncadd.s32 $0xFFFF6000  }
0x7d: {  	_ =	sfence.sel $0x180000  }
0x7e: {  	[bflag:$0x0] =	sbarrier.arrive $0xFFFF  }
0x7f: {  	p0 =	sne.s32 s1, $0x0;
	_ =	strace $0x90000047  }
0x80: {  	s0 =	sadd.s32 @!p0 $0x100000, s0;
	[bflag:$0x2] =	sbarrier.arrive $0xFFFF  }
0x81: {  	[sflag:s0] =	ssyncadd.tile.s32 @!p0 $0x1;
	_ =	shalt  }
.Lfunc_end2:
_tile_overlayer_lowered:
.L_overlay_start_2:
0x82: {  	(tag) =	ssettag $0x2  }
0x83: {  	s0 =	rddreg [dreg:$0x0];
	s2 =	stileid.u32  }
0x84: {  	s1 =	rddreg [dreg:$0x1];
	p0 =	sne.s32 s2, $0x0  }
0x85: {  	s3 =	rddreg [dreg:$0x2];
	[bflag:$0x3] =	sbarrier.arrive $0xFFFF;
	s2 =	simm.s32 @!p0 $0x1C05  }
0x86: {  	[timem:s3], [sflag:s2] =	dma.local @!p0 [hbm:s0], s1  }
0x87: {  	s0 =	simm.s32 @!p0 $0x5  }
0x88: {  	_ =	swait.ge @!p0 [sflag:s0], s1  }
0x89: {  	s1 =	ssub.s32 @!p0 $0x0, s1;
	[sflag:s0] =	ssyncset.done @!p0 $0x0  }
0x8a: {  	[sflag:s0] =	ssyncadd.s32 @!p0 s1  }
0x8b: {  	[bflag:$0x3] =	sbarrier.arrive $0xFFFF  }
0x8c: {  	_ =	shalt  }

// kernel: sparse-core-data-format-call.cloned.1.call-start
scs
called_computation_lowered:
.L_overlay_start_0:
0x0: {  	s2 =	sld [smem:$0x3FD9]  }
0x1: {  	s3 =	sld [smem:$0x3FFE];
	_ =	sdelay $0x1  }
0x2: {  	s1 =	srdreg.scid  }
0x3: {  	s0 =	sand.u32 $0x1, s1  }
0x4: {  	s18 =	sshll.u32 s0, $0xA;
	s2 =	sadd.s32 s3, s2  }
0x5: {  	s2 =	sadd.s32 s2, s18  }
0x6: {  	[smem:$0x3FC6] =	sst s2  }
0x7: {  	_ = 	snop  }
0x8: {  	s2 =	sld [smem:$0x3FD0];
	(tm) =	ssettm $0x1  }
0x9: {  	s19 =	sld [smem:$0x3FFB];
	_ =	sdelay $0x3  }
0xa: {  	_ =	strace s19  }
0xb: {  	s3 =	sld [smem:$0x3FFC];
	_ =	sdelay $0x3  }
0xc: {  	_ =	strace s3  }
0xd: {  	s3 =	sld [smem:$0x3FFD];
	_ =	sdelay $0x3  }
0xe: {  	_ =	strace s3  }
0xf: {  	_ =	strace $0x8FFFFFFF  }
0x10: {  	s20 =	sld [smem:$0x3FDB];
	_ =	sdelay $0x1  }
0x11: {  	s4 =	simm.s32 $_scs_section_size  }
0x12: {  	s5 =	simm.s32 $_size__tile_overlayer_lowered;
	s6 =	simm.s32 $_tile_overlayer_lowered  }
0x13: {  	s23 =	simm.s32 $0x1BFF;
	s22 =	sshll.u32 s6, $0x1;
	s3 =	sadd.s32 s4, s20  }
0x14: {  	s7 =	simm.s32 $0x0;
	s21 =	sshll.u32 s5, $0x1;
	s5 =	sadd.s32 s22, s3  }
0x15: {  	[timem:s7], [sflag:s23] =	dma.local [hbm:s5], s21  }
0x16: {  	_ =	swait.ge [sflag:s23], s21  }
0x17: {  	s4 =	ssub.s32 $0x0, s21;
	[sflag:s23] =	ssyncset.done $0x0  }
0x18: {  	[sflag:s23] =	ssyncadd.s32 s4;
	_ =	sdelay $0x1  }
0x19: {  	s24 =	simm.s32 $0x1B8B  }
0x1a: {  	_ =	swait.ge [sflag:s24], $0x1  }
0x1b: {  	[sflag:s24] =	ssyncset.done $0x0  }
0x1c: {  	s26 =	simm.s32 $0x1B8E;
	s25 =	sld [smem:$0x3FFE];
	[sflag:s24] =	ssyncadd.s32 $0xFFFFFFFF  }
0x1d: {  	s27 =	simm.s32 $execute0_lowered;
	[smem:$0x3FD2] =	sst s26  }
0x1e: {  	s5 =	sshll.u32 s27, $0x1;
	_ =	strace $0x80000049;
	[dreg:$0x1] =	wrdreg $0xFFFFFFFF  }
0x1f: {  	s28 =	simm.s32 $_size_execute0_lowered;
	s3 =	sadd.s32 s3, s5;
	[dreg:$0x0] =	wrdreg $0x0  }
0x20: {  	s5 =	sshll.u32 s28, $0x1;
	[dreg:$0x2] =	wrdreg s3  }
0x21: {  	[dreg:$0x3] =	wrdreg s5  }
0x22: {  	[dreg:$0x4] =	wrdreg $0xC0  }
0x23: {  	_ =	task [dreg:s7], $0x5FFFF  }
0x24: {  	[dreg:$0x1] =	wrdreg $0xFFFFFFFF  }
0x25: {  	[dreg:$0x0] =	wrdreg $0x60  }
0x26: {  	[dreg:$0x2] =	wrdreg s25  }
0x27: {  	[dreg:$0x3] =	wrdreg s2  }
0x28: {  	[dreg:$0x4] =	wrdreg $0x9  }
0x29: {  	_ =	task.clear_ibuf [dreg:s7], $0x5FFFF;
	_ =	strace $0x90000049  }
0x2a: {  	s29 =	simm.s32 $0x9;
	_ =	strace $0x8000004B  }
0x2b: {  	_ =	swait.ge [sflag:s29], $0x1  }
0x2c: {  	[sflag:s29] =	ssyncadd.s32 $0xFFFFFFFF  }
0x2d: {  	_ =	strace $0x9000004B  }
0x2e: {  	_ =	sfence  }
0x2f: {  	s30 =	sld [smem:$0x0];
	_ =	sdelay $0x2  }
0x30: {  	s31 =	sshll.u32 s1, $0xD;
	s1 =	sshrl.u32 s1, $0x2  }
0x31: {  	s3 =	sand.u32 $0x4000, s31;
	s1 =	sadd.s32 s1, s30  }
0x32: {  	s0 =	sor.u32 s3, s0;
	s1 =	sshll.u32 s1, $0x11  }
0x33: {  	s0 =	sor.u32 s1, s0  }
0x34: {  	s0 =	sadd.s32 $0x8F2B, s0  }
0x35: {  	[sflag:s0] =	ssyncadd.remote.s32 $0x1  }
0x36: {  	_ =	sfence.sel $0xFFFF  }
0x37: {  	[dreg:$0x0] =	wrdreg $0xFFFFFFFF;
	(pc) =	sbr.abs _section_cstart, $3  }
0x38: {  	[dreg:$0x1] =	wrdreg $0xFFFFFFFF  }
0x39: {  	_ =	task.clear_ibuf [dreg:s7], $0x2FFFF;
	_ =	strace $0x9FFFFFFF  }
0x3a: {  	(tm) =	ssettm $0x7FFFFFFF  }
0x3b: {  	_ =	shalt  }
tec
execute0_lowered:
.L_overlay_start_1:
0x0: {  	(tag) =	ssettag $0x1  }
0x1: {  	s0 =	srdreg.scid  }
0x2: {  	s1 =	sshll.u32 s0, $0x4  }
0x3: {  	s0 =	stileid.u32;
	s1 =	sand.u32 $0x10, s1  }
0x4: {  	s1 =	sor.u32 s0, s1  }
0x5: {  	s6 =	rddreg [dreg:$0x0];
	s4 =	simm.s32 $0x1;
	s2 =	sshll.u32 s1, $0x7  }
0x6: {  	s7 =	simm.s32 $0x2;
	s12 =	simm.s32 $0x0;
	s1 =	ssub.s32 $0x1000, s2  }
0x7: {  	s8 =	simm.s32 $0x8000;
	s13 =	simm.s32 $0x0;
	s3 =	sand.u32 $0xF80, s1  }
0x8: {  	s9 =	simm.s32 $0x0;
	s5 =	sshrl.u32 s1, $0xC;
	p0 =	sne.s32 s3, $0x0  }
.Ltmp0:
0x9: {  	s1 =	rddreg [dreg:$0x2];
	s4 =	simm.s32 @!p0 $0x0;
	(pc) =	sbr.rel .LBB1_1-.Ltmp0, $4  }
0xa: {  	s11 =	simm.s32 $0x0;
	s3 =	rddreg [dreg:$0x1];
	s5 =	sadd.s32 s4, s5  }
0xb: {  	_ =	strace $0x8000004A;
	s4 =	simm.s32 $0x1;
	s5 =	smul.u32 $0xC8, s5  }
0xc: {  	s6 =	sadd.s32 $0xA00, s6;
	s10 =	smov.u32 s2;
	[sflag:s4] =	ssyncpa.u1 $0x0  }
0xd: {  	p0 =	por $0x0, $0x0;
	[sflag:s7] =	ssyncpa.u1 $0x0;
	s7 =	sor.u32 $0x1, s5  }
.LBB1_4:
0xe: {  	s16 =	sshll.u32 s13, $0x3;
	s17 =	sand.u32 $0x78, s13  }
0xf: {  	s30 =	sand.u32 $0x7E00, s13;
	s12 =	sshll.u32 s12, $0xF;
	s16 =	sand.u32 $0xC00, s16  }
0x10: {  	[tilespmem:s15+$0x810 ss:$0x81] =	vst.msk $0xffff, v2;
	s31 =	sand.u32 $0x7, s13;
	s16 =	sor.u32 s17, s16;
	s17 =	sadd.s32 s3, s30  }
0x11: {  	[tilespmem:s15+$0x1020 ss:$0x81] =	vst.msk $0xffff, v0;
	s13 =	sshll.u32 s31, $0x12;
	s12 =	sadd.s32 s12, s17;
	s16 =	sshrl.u32 s16, $0x3  }
0x12: {  	[tilespmem:s15+$0x0 ss:$0x81] =	vst.msk $0xffff, v1;
	s13 =	sor.u32 $0x400, s13;
	s12 =	sadd.s32 s16, s12  }
0x13: {  	[hbm4b:s12+s13] =	stream.strided.scatter [tilespmem:s14], [sflag:$0x2], $0x2000, s8, s13, $0x20;
	[tilespmem:$0x8080] =	vst v63  }
.LBB1_5:
0x14: {  	s14 =	sadd.s32 $0x1, s9  }
0x15: {  	s12 =	sadd.s32 $0x1000, s10;
	s16 =	smov.u32 s10;
	p2 =	sgt.s32 s14, $0xC7  }
0x16: {  	s16 =	smov.u32 @p2 s12  }
0x17: {  	s14 =	simm.s32 @p2 $0x0;
	p2 =	sgt.s32 s16, $0xFFF  }
0x18: {  	s16 =	smov.u32 @p2 s2;
	p2 =	sne.s32 s11, s7  }
.Ltmp1:
0x19: {  	p1 =	slt.u32 s11, $0x2;
	(pc) =	sbr.rel @!p2 .LBB1_6-.Ltmp1, $4  }
0x1a: {  	s15 =	simm.s32 @!p1 $0x2  }
0x1b: {  	s13 =	smov.u32 s10;
	p0 =	por !p0, !p0;
	_ =	swait.ge @!p1 [sflag:s15], $0x2000  }
0x1c: {  	s12 =	smov.u32 s9;
	[sflag:s15] =	ssyncset.done @!p1 $0x0;
	s9 =	smov.u32 s14  }
0x1d: {  	s11 =	sadd.s32 $0x1, s11;
	[sflag:s15] =	ssyncadd.s32 @!p1 $0xFFFFE000;
	s10 =	smov.u32 s16  }
.LBB1_1:
0x1e: {  	p1 =	sge.u32 s11, s5  }
0x1f: {  	s14 =	sand.u32 @!p1 $0x1FFFFFF, s9  }
0x20: {  	s15 =	smulhi.u32 @!p1 $0x147AE15, s14;
	_ =	sdelay $0x1  }
0x21: {  	s15 =	smul.u32 @!p1 $0xC8, s15  }
0x22: {  	s16 =	sxor.u32 @!p1 $0xFFFFFFFF, s11;
	s17 =	smul.u32 @!p1 $0xC80, s10  }
0x23: {  	s31 =	sadd.s32 $0xFFFFFFFF, s11;
	s16 =	sshll.u32 @!p1 s16, $0xD;
	s14 =	ssub.s32 @!p1 s14, s15  }
0x24: {  	s15 =	sand.u32 @!p1 $0x2000, s16;
	s16 =	sadd.s32 @!p1 s6, s17;
	s14 =	sshll.u32 @!p1 s14, $0x4  }
0x25: {  	s17 =	simm.s32 @!p1 $0x6400;
	s14 =	sadd.s32 @!p1 s14, s16;
	s16 =	simm.s32 @!p1 $0x40  }
0x26: {  	[tilespmem:s15], [sflag:$0x1] =	stream.strided.gather @!p1 [hbm4b:s14+s16], $0x2000, s17, s16, $0x38;
	[tilespmem:$0x8080] =	vst v63  }
0x27: {  	p1 =	sge.u32 s31, s5  }
.Ltmp2:
0x28: {  	_ = 	snop;
	(pc) =	sbr.rel @p1 .LBB1_5-.Ltmp2, $1  }
0x29: {  	_ =	sdelay $0x3  }
0x2a: {  	s14 =	simm.s32 $0x1  }
0x2b: {  	_ =	swait.ge [sflag:s4], $0x2000;
	s14 =	simm.s32 @!p0 $0x0  }
0x2c: {  	[sflag:s4] =	ssyncset.done $0x0;
	s15 =	sshll.u32 s14, $0xD  }
0x2d: {  	[sflag:s4] =	ssyncadd.s32 $0xFFFFE000;
	s18 =	sor.u32 $0x20, s15  }
0x2e: {  	s14 =	smul.u32 $0x8100, s14;
	v3 =	vld [tilespmem:s18+$0x10]  }
0x2f: {  	s30 =	sand.u32 $0x1, s11;
	v2 =	vld [tilespmem:s18+$0xFFFFFFF0]  }
0x30: {  	s15 =	smul.u32 $0x8100, s30;
	s14 =	sshrl.u32 s14, $0x2;
	v0 =	vld [tilespmem:s18+$0x0]  }
0x31: {  	v1 =	vld [tilespmem:s18+$0xFFFFFFE0];
	s16 =	sor.u32 $0x4000, s14  }
0x32: {  	s31 =	sshrl.u32 s15, $0x2;
	s15 =	sadd.s32 $0x0, s16  }
0x33: {  	s17 =	simm.s32 $0x4;
	s18 =	sadd.s32 $0x40, s18;
	s14 =	sor.u32 $0x4000, s31;
	[tilespmem:s15+$0x1830 ss:$0x81] =	vst.msk $0xffff, v3  }
.LBB1_3:
0x34: {  	v3 =	vld [tilespmem:s18+$0x10];
	p1 =	sne.s32 s17, $0x1FC;
	[tilespmem:s15+$0x810 ss:$0x81] =	vst.msk $0xffff, v2;
	s19 =	smov.u32 s17;
	s17 =	sadd.s32 $0x4, s17  }
.Ltmp3:
0x35: {  	v2 =	vld [tilespmem:s18+$0xFFFFFFF0];
	[tilespmem:s15+$0x1020 ss:$0x81] =	vst.msk $0xffff, v0;
	(pc) =	sbr.rel @p1 .LBB1_3-.Ltmp3, $4  }
0x36: {  	v0 =	vld [tilespmem:s18+$0x0];
	[tilespmem:s15+$0x0 ss:$0x81] =	vst.msk $0xffff, v1  }
0x37: {  	s15 =	sshra.s32 s19, $0x2;
	v1 =	vld [tilespmem:s18+$0xFFFFFFE0]  }
0x38: {  	s15 =	sadd.s32 s15, s16  }
0x39: {  	s18 =	sadd.s32 $0x40, s18;
	[tilespmem:s15+$0x1830 ss:$0x81] =	vst.msk $0xffff, v3  }
.Ltmp4:
0x3a: {  	_ = 	snop;
	(pc) =	sbr.rel .LBB1_4-.Ltmp4, $1  }
0x3b: {  	_ =	sdelay $0x3  }
.LBB1_6:
0x3c: {  	_ =	sfence.sel $0x180000  }
0x3d: {  	s2 =	simm.s32 $0x1;
	[bflag:$0x0] =	sbarrier.arrive $0xFFFF  }
0x3e: {  	s31 =	simm.s32 $0x2;
	[sflag:s2] =	ssyncpa.u1 $0x1  }
0x3f: {  	[sflag:s31] =	ssyncpa.u1 $0x1  }
0x40: {  	p0 =	sne.s32 s0, $0x0;
	_ =	strace $0x9000004A  }
0x41: {  	s0 =	sadd.s32 @!p0 $0x100000, s1;
	[bflag:$0x2] =	sbarrier.arrive $0xFFFF  }
0x42: {  	[sflag:s0] =	ssyncadd.tile.s32 @!p0 $0x1;
	_ =	shalt  }
.Lfunc_end1:
_tile_overlayer_lowered:
.L_overlay_start_2:
0x43: {  	(tag) =	ssettag $0x2  }
0x44: {  	s0 =	rddreg [dreg:$0x0];
	s2 =	stileid.u32  }
0x45: {  	s1 =	rddreg [dreg:$0x1];
	p0 =	sne.s32 s2, $0x0  }
0x46: {  	s3 =	rddreg [dreg:$0x2];
	[bflag:$0x3] =	sbarrier.arrive $0xFFFF;
	s2 =	simm.s32 @!p0 $0x1C01  }
0x47: {  	[timem:s3], [sflag:s2] =	dma.local @!p0 [hbm:s0], s1  }
0x48: {  	s0 =	simm.s32 @!p0 $0x1  }
0x49: {  	_ =	swait.ge @!p0 [sflag:s0], s1  }
0x4a: {  	s1 =	ssub.s32 @!p0 $0x0, s1;
	[sflag:s0] =	ssyncset.done @!p0 $0x0  }
0x4b: {  	[sflag:s0] =	ssyncadd.s32 @!p0 s1  }
0x4c: {  	[bflag:$0x3] =	sbarrier.arrive $0xFFFF  }
0x4d: {  	_ =	shalt  }

</sc_bundles>
